<compile_context>
chip_gen: v7x
topology: tpu7x:2x2x1
jax: 0.10.2.dev20260603
libtpu: 0.0.44.dev20260713+nightly
codegen_flags: <defaults>
</compile_context>

<pallas_src>
import functools

import jax
import jax.numpy as jnp
from jax import lax
from jax.experimental import pallas as pl
from jax.experimental.pallas import tpu as pltpu
from jax.experimental.pallas import tpu_sc as plsc

_LOG1P_C = (0.10584377187810114, -0.394195610913949, 0.9812560175991418,
            0.0005721672283739068)
_RECIP_C = (0.3232323232323253, -0.808080808080809, 0.9898989898989896)

_CW = 128
_M_TC = 56
_M_SC = 8
_NW = 32
_CB = 512
_P_SC = 199680


def _softplus_sigmoid(l):
    e = jnp.exp(-jnp.abs(l))
    lp = _LOG1P_C[0]
    for c in _LOG1P_C[1:]:
        lp = lp * e + c
    r = _RECIP_C[0]
    for c in _RECIP_C[1:]:
        r = r * e + c
    pos = l > 0.0
    sig = jnp.where(pos, r, 1.0 - r)
    sp = jnp.where(pos, l, 0.0) + lp
    return sp, sig


def _tc_body(l_ref, t_ref, sums_ref, *, bp, p_dim, rows):
    i = pl.program_id(0)

    @pl.when(i == 0)
    def _init():
        sums_ref[0] = 0.0
        sums_ref[1] = 0.0
        sums_ref[2] = 0.0

    rem = p_dim - i * bp
    lane = lax.broadcasted_iota(jnp.int32, (rows, _CW), 1)
    zero = jnp.zeros((rows, _CW), jnp.float32)

    def chunk(j, carry):
        a0, a1, a2 = carry
        l = l_ref[:, pl.ds(j * _CW, _CW)]
        t = t_ref[:, pl.ds(j * _CW, _CW)]
        valid = lane < (rem - j * _CW)
        l = jnp.where(valid, l, 0.0)
        t = jnp.where(valid, t, 0.0)
        sp, sig = _softplus_sigmoid(l)
        return (a0 + t, a1 + t * sp, a2 + t * sig)

    a0, a1, a2 = lax.fori_loop(0, bp // _CW, chunk, (zero, zero, zero),
                               unroll=2)
    sums_ref[0] += jnp.sum(a0)
    sums_ref[1] += jnp.sum(a1)
    sums_ref[2] += jnp.sum(a2)


def _corner_body(l_ref, t_ref, sums_ref, *, valid_lanes):
    l = l_ref[...]
    t = t_ref[...]
    lane = lax.broadcasted_iota(jnp.int32, l.shape, 1)
    ok = lane < valid_lanes
    l = jnp.where(ok, l, 0.0)
    t = jnp.where(ok, t, 0.0)
    sp, sig = _softplus_sigmoid(l)
    sums_ref[0] = jnp.sum(t)
    sums_ref[1] = jnp.sum(t * sp)
    sums_ref[2] = jnp.sum(t * sig)


def _sc_partials(logits, tgt_masks):
    mesh = plsc.VectorSubcoreMesh(core_axis_name="c", subcore_axis_name="s",
                                  num_cores=2, num_subcores=16)
    nch = _P_SC // _CB
    nc = _CB // 16

    @functools.partial(
        pl.kernel,
        out_type=jax.ShapeDtypeStruct((_NW, 128), jnp.float32),
        mesh=mesh,
        scratch_types=[
            pltpu.VMEM((2, _M_SC, _CB), jnp.float32),
            pltpu.VMEM((2, _M_SC, _CB), jnp.float32),
            pltpu.VMEM((128,), jnp.float32),
            pltpu.SemaphoreType.DMA((2,)),
        ],
    )
    def k(l_hbm, t_hbm, out_hbm, lbuf, tbuf, obuf, sems):
        wid = lax.axis_index("s") * 2 + lax.axis_index("c")
        nk = (nch - wid + _NW - 1) // _NW

        def copies(kk, slot):
            off = (wid + kk * _NW) * _CB
            src_l = l_hbm.at[pl.ds(_M_TC, _M_SC), pl.ds(off, _CB)]
            src_t = t_hbm.at[pl.ds(_M_TC, _M_SC), pl.ds(off, _CB)]
            return (pltpu.make_async_copy(src_l, lbuf.at[slot], sems.at[slot]),
                    pltpu.make_async_copy(src_t, tbuf.at[slot], sems.at[slot]))

        def start(kk, slot):
            for c in copies(kk, slot):
                c.start()

        @pl.when(nk > 0)
        def _prime():
            start(0, 0)

        def do_chunk(kk, carry):
            slot = lax.rem(kk, 2)

            @pl.when(kk + 1 < nk)
            def _prefetch():
                start(kk + 1, 1 - slot)

            for c in copies(kk, slot):
                c.wait()

            def row_loop(row, c1):
                def inner(col, c2):
                    b0, b1, b2 = c2
                    l = lbuf[slot, row, pl.ds(col * 16, 16)]
                    t = tbuf[slot, row, pl.ds(col * 16, 16)]
                    sp, sig = _softplus_sigmoid(l)
                    return (b0 + t, b1 + t * sp, b2 + t * sig)
                return lax.fori_loop(0, nc, inner, c1, unroll=8)

            return lax.fori_loop(0, _M_SC, row_loop, carry)

        z = jnp.zeros((16,), jnp.float32)
        a0, a1, a2 = lax.fori_loop(0, nk, do_chunk, (z, z, z))
        for g in range(8):
            obuf[pl.ds(g * 16, 16)] = z
        obuf[pl.ds(0, 16)] = a0
        obuf[pl.ds(16, 16)] = a1
        obuf[pl.ds(32, 16)] = a2
        pltpu.sync_copy(obuf, out_hbm.at[wid])

    return k(logits, tgt_masks)


def _tc_main(logits, tgt_masks, bp=25600):
    p_dim = tgt_masks.shape[1]
    nb = (p_dim + bp - 1) // bp
    body = functools.partial(_tc_body, bp=bp, p_dim=p_dim, rows=_M_TC)
    return pl.pallas_call(
        body,
        grid=(nb,),
        in_specs=[
            pl.BlockSpec((_M_TC, bp), lambda i: (0, i)),
            pl.BlockSpec((_M_TC, bp), lambda i: (0, i)),
        ],
        out_specs=pl.BlockSpec(memory_space=pltpu.SMEM),
        out_shape=jax.ShapeDtypeStruct((3,), jnp.float32),
    )(logits, tgt_masks)


def _tc_corner(logits, tgt_masks):
    p_dim = tgt_masks.shape[1]
    cw = 384
    body = functools.partial(_corner_body, valid_lanes=p_dim - _P_SC)
    return pl.pallas_call(
        body,
        grid=(1,),
        in_specs=[
            pl.BlockSpec((_M_SC, cw), lambda i: (_M_TC // _M_SC, _P_SC // cw)),
            pl.BlockSpec((_M_SC, cw), lambda i: (_M_TC // _M_SC, _P_SC // cw)),
        ],
        out_specs=pl.BlockSpec(memory_space=pltpu.SMEM),
        out_shape=jax.ShapeDtypeStruct((3,), jnp.float32),
    )(logits, tgt_masks)


def kernel(pred_masks, tgt_masks):
    m_dim = tgt_masks.shape[0]
    logits = pred_masks.T
    sc = _sc_partials(logits, tgt_masks)
    tc = _tc_main(logits, tgt_masks)
    corner = _tc_corner(logits, tgt_masks)
    sc_sums = sc[:, :48].reshape(_NW, 3, 16).sum(axis=(0, 2))
    sums = tc + corner + sc_sums
    msum, ce_sum, s_sum = sums[0], sums[1], sums[2]
    loss_ce = ce_sum / msum / m_dim
    loss_dice = 1.0 - 1.0 / (s_sum + 1.0)
    return jnp.stack([loss_ce * 5.0, loss_dice * 5.0])

# --- scband reference (transcript-rebuilt; emitter-appended) ---
"""Pipeline reference for scband-wrong-loss-60816736911968 (READ-ONLY COPY).

The authoritative reference and input builder live on the scoring server;
editing this copy changes nothing except your own understanding.
"""

import jax, jax.numpy as jnp
import numpy as np

W_MASK = 5.0
W_DICE = 5.0


def setup_inputs(seed: int = 0) -> dict:
    key = jax.random.key(seed)
    k1, k2 = jax.random.split(key)
    pred_masks = jax.random.normal(k1, (200000, 64), dtype=jnp.float32)
    tgt_masks = jax.random.randint(k2, (64, 200000), 0, 2).astype(jnp.float32)
    return {"pred_masks": pred_masks, "tgt_masks": tgt_masks}


def reference(pred_masks, tgt_masks):
    # get_loss core path of WrongLoss:
    #   gt_neg = tgt_masks - 1; gt_neg[gt_neg < 0] = 1  -> equals 1 - tgt_masks for binary masks
    #   mask = tgt_masks.bool()
    logits = pred_masks.T  # [M, P], matches pred_masks.T in torch
    gt_neg = 1.0 - tgt_masks
    mask = tgt_masks > 0.5
    num_masks = tgt_masks.shape[0]  # len(mask) in torch == M

    # wrong_sigmoid_ce_loss: BCE-with-logits elementwise, then loss[mask].mean() / num_masks
    z = gt_neg
    ce = jnp.maximum(logits, 0.0) - logits * z + jnp.log1p(jnp.exp(-jnp.abs(logits)))
    msum = jnp.sum(mask).astype(jnp.float32)
    loss_ce = jnp.sum(jnp.where(mask, ce, 0.0)) / msum / num_masks

    # wrong_dice_loss: sigmoid, boolean-mask gather (flattens), sum over flattened axis -> scalar
    s = jax.nn.sigmoid(logits)
    numerator = 2.0 * jnp.sum(jnp.where(mask, s * z, 0.0))
    denominator = jnp.sum(jnp.where(mask, s, 0.0)) + jnp.sum(jnp.where(mask, z, 0.0))
    loss_dice = 1.0 - (numerator + 1.0) / (denominator + 1.0)

    return jnp.stack([loss_ce * W_MASK, loss_dice * W_DICE])

if __name__ == "__main__":
    import jax
    _d = setup_inputs()
    print(jax.jit(kernel)(*tuple(_d.values())))

</pallas_src>

<mosaic_0001>
#map = affine_map<(d0, d1) -> (0, 0)>
module attributes {stable_mosaic.version = 14 : i64} {
  func.func @k(%arg0: i32, %arg1: i32, %arg2: memref<64x200000xf32, #tpu.memory_space<hbm>>, %arg3: memref<64x200000xf32, #tpu.memory_space<hbm>>, %arg4: memref<32x128xf32, #tpu.memory_space<hbm>>, %arg5: memref<2x8x512xf32, #tpu.memory_space<vmem>>, %arg6: memref<2x8x512xf32, #tpu.memory_space<vmem>>, %arg7: memref<128xf32, #tpu.memory_space<vmem>>, %arg8: memref<2x!tpu.dma_semaphore, #tpu.memory_space<semaphore_mem>>) attributes {dimension_semantics = [#tpu.dimension_semantics<core_parallel>, #tpu.dimension_semantics<subcore_parallel>], iteration_bounds = array<i64: 2, 16>, scalar_prefetch = 0 : i64, scratch_operands = 4 : i64, tpu.core_type = #tpu.core_type<sc_vector_subcore>, window_params = [{transform_indices = #map}, {transform_indices = #map}, {transform_indices = #map}]} {
    %mul3A = arith.constant 2 : i32
    %mul3A_0 = arith.muli %arg1, %mul3A : i32
    %add3A = arith.addi %mul3A_0, %arg0 : i32
    %sub3A = arith.constant 390 : i32
    %sub3A_1 = arith.subi %sub3A, %add3A : i32
    %add3A_2 = arith.constant 32 : i32
    %add3A_3 = arith.addi %sub3A_1, %add3A_2 : i32
    %sub3A_4 = arith.constant 1 : i32
    %sub3A_5 = arith.subi %add3A_3, %sub3A_4 : i32
    %jit3A = arith.constant 32 : i32
    %div3A = arith.divsi %sub3A_5, %jit3A : i32
    %sign3A = arith.constant 0 : i32
    %sign3A_6 = arith.cmpi sgt, %sub3A_5, %sign3A : i32
    %sign3A_7 = arith.extui %sign3A_6 : i1 to i32
    %sign3A_8 = arith.constant 0 : i32
    %sign3A_9 = arith.cmpi slt, %sub3A_5, %sign3A_8 : i32
    %sign3A_10 = arith.extui %sign3A_9 : i1 to i32
    %sign3A_11 = arith.subi %sign3A_7, %sign3A_10 : i32
    %sign3A_12 = arith.constant 0 : i32
    %sign3A_13 = arith.cmpi sgt, %jit3A, %sign3A_12 : i32
    %sign3A_14 = arith.extui %sign3A_13 : i1 to i32
    %sign3A_15 = arith.constant 0 : i32
    %sign3A_16 = arith.cmpi slt, %jit3A, %sign3A_15 : i32
    %sign3A_17 = arith.extui %sign3A_16 : i1 to i32
    %sign3A_18 = arith.subi %sign3A_14, %sign3A_17 : i32
    %ne3A = arith.cmpi ne, %sign3A_11, %sign3A_18 : i32
    %rem3A = arith.remsi %sub3A_5, %jit3A : i32
    %ne3A_19 = arith.constant 0 : i32
    %ne3A_20 = arith.cmpi ne, %rem3A, %ne3A_19 : i32
    %and3A = arith.andi %ne3A, %ne3A_20 : i1
    %sub3A_21 = arith.constant 1 : i32
    %sub3A_22 = arith.subi %div3A, %sub3A_21 : i32
    %select_n3A = arith.select %and3A, %sub3A_22, %div3A : i32
    %gt3A = arith.constant 0 : i32
    %gt3A_23 = arith.cmpi sgt, %select_n3A, %gt3A : i32
    %convert_element_type3A = arith.extui %gt3A_23 : i1 to i32
    %cond3A = arith.constant 0 : i32
    %cond3A_24 = arith.cmpi ne, %convert_element_type3A, %cond3A : i32
    scf.if %cond3A_24 {
      %add3A_79 = arith.constant 0 : i32
      %add3A_80 = arith.addi %add3A, %add3A_79 : i32
      %mul3A_81 = arith.constant 512 : i32
      %mul3A_82 = arith.muli %add3A_80, %mul3A_81 : i32
      %dma_start3A = arith.constant 0 : i32
      %dma_start3A_83 = arith.constant 0 : i32
      %dma_start3A_84 = arith.constant 0 : i32
      %dma_start3A_85 = arith.constant 0 : i32
      %dma_start3A_86 = tpu.memref_slice %arg5[%dma_start3A, %dma_start3A_84, %dma_start3A_85] : memref<2x8x512xf32, #tpu.memory_space<vmem>> -> memref<1x8x512xf32, #tpu.memory_space<vmem>>
      %dma_start3A_87 = tpu.memref_squeeze %dma_start3A_86 : memref<1x8x512xf32, #tpu.memory_space<vmem>> -> memref<8x512xf32, #tpu.memory_space<vmem>>
      %dma_start3A_88 = arith.constant 56 : i32
      %dma_start3A_89 = tpu.memref_slice %arg2[%dma_start3A_88, %mul3A_82] : memref<64x200000xf32, #tpu.memory_space<hbm>> -> memref<8x512xf32, #tpu.memory_space<hbm>>
      %dma_start3A_90 = tpu.memref_slice %arg8[%dma_start3A_83] : memref<2x!tpu.dma_semaphore, #tpu.memory_space<semaphore_mem>> -> memref<1x!tpu.dma_semaphore, #tpu.memory_space<semaphore_mem>>
      %dma_start3A_91 = tpu.memref_squeeze %dma_start3A_90 : memref<1x!tpu.dma_semaphore, #tpu.memory_space<semaphore_mem>> -> memref<!tpu.dma_semaphore, #tpu.memory_space<semaphore_mem>>
      %dma_start3A_92 = arith.constant 0 : i32
      %dma_start3A_93 = arith.constant 0 : i32
      %dma_start3A_94 = tpu.memref_slice %arg5[%dma_start3A, %dma_start3A_92, %dma_start3A_93] : memref<2x8x512xf32, #tpu.memory_space<vmem>> -> memref<1x8x512xf32, #tpu.memory_space<vmem>>
      %dma_start3A_95 = tpu.memref_squeeze %dma_start3A_94 : memref<1x8x512xf32, #tpu.memory_space<vmem>> -> memref<8x512xf32, #tpu.memory_space<vmem>>
      %dma_start3A_96 = arith.constant 56 : i32
      %dma_start3A_97 = tpu.memref_slice %arg2[%dma_start3A_96, %mul3A_82] : memref<64x200000xf32, #tpu.memory_space<hbm>> -> memref<8x512xf32, #tpu.memory_space<hbm>>
      tpu.enqueue_dma source(%dma_start3A_97 : memref<8x512xf32, #tpu.memory_space<hbm>>) target(%dma_start3A_95 : memref<8x512xf32, #tpu.memory_space<vmem>>) target_semaphore(%dma_start3A_91 : memref<!tpu.dma_semaphore, #tpu.memory_space<semaphore_mem>>)
      %dma_start3A_98 = arith.constant 0 : i32
      %dma_start3A_99 = arith.constant 0 : i32
      %dma_start3A_100 = arith.constant 0 : i32
      %dma_start3A_101 = arith.constant 0 : i32
      %dma_start3A_102 = tpu.memref_slice %arg6[%dma_start3A_98, %dma_start3A_100, %dma_start3A_101] : memref<2x8x512xf32, #tpu.memory_space<vmem>> -> memref<1x8x512xf32, #tpu.memory_space<vmem>>
      %dma_start3A_103 = tpu.memref_squeeze %dma_start3A_102 : memref<1x8x512xf32, #tpu.memory_space<vmem>> -> memref<8x512xf32, #tpu.memory_space<vmem>>
      %dma_start3A_104 = arith.constant 56 : i32
      %dma_start3A_105 = tpu.memref_slice %arg3[%dma_start3A_104, %mul3A_82] : memref<64x200000xf32, #tpu.memory_space<hbm>> -> memref<8x512xf32, #tpu.memory_space<hbm>>
      %dma_start3A_106 = tpu.memref_slice %arg8[%dma_start3A_99] : memref<2x!tpu.dma_semaphore, #tpu.memory_space<semaphore_mem>> -> memref<1x!tpu.dma_semaphore, #tpu.memory_space<semaphore_mem>>
      %dma_start3A_107 = tpu.memref_squeeze %dma_start3A_106 : memref<1x!tpu.dma_semaphore, #tpu.memory_space<semaphore_mem>> -> memref<!tpu.dma_semaphore, #tpu.memory_space<semaphore_mem>>
      %dma_start3A_108 = arith.constant 0 : i32
      %dma_start3A_109 = arith.constant 0 : i32
      %dma_start3A_110 = tpu.memref_slice %arg6[%dma_start3A_98, %dma_start3A_108, %dma_start3A_109] : memref<2x8x512xf32, #tpu.memory_space<vmem>> -> memref<1x8x512xf32, #tpu.memory_space<vmem>>
      %dma_start3A_111 = tpu.memref_squeeze %dma_start3A_110 : memref<1x8x512xf32, #tpu.memory_space<vmem>> -> memref<8x512xf32, #tpu.memory_space<vmem>>
      %dma_start3A_112 = arith.constant 56 : i32
      %dma_start3A_113 = tpu.memref_slice %arg3[%dma_start3A_112, %mul3A_82] : memref<64x200000xf32, #tpu.memory_space<hbm>> -> memref<8x512xf32, #tpu.memory_space<hbm>>
      tpu.enqueue_dma source(%dma_start3A_113 : memref<8x512xf32, #tpu.memory_space<hbm>>) target(%dma_start3A_111 : memref<8x512xf32, #tpu.memory_space<vmem>>) target_semaphore(%dma_start3A_107 : memref<!tpu.dma_semaphore, #tpu.memory_space<semaphore_mem>>)
    } else {
    }
    %broadcast_in_dim3A = arith.constant 0.000000e+00 : f32
    %broadcast_in_dim3A_25 = vector.broadcast %broadcast_in_dim3A : f32 to vector<16xf32>
    %while3A = arith.constant 0 : i32
    %while3A_26 = arith.subi %select_n3A, %while3A : i32
    %while3A_27 = arith.addi %while3A, %while3A_26 : i32
    %while3A_28 = arith.constant 1 : i32
    %while3A_29 = arith.divsi %while3A_26, %while3A_28 : i32
    %while3A_30 = arith.muli %while3A_29, %while3A_28 : i32
    %while3A_31 = arith.addi %while3A, %while3A_30 : i32
    %while3A_32 = arith.constant 1 : i32
    %while3A_33:3 = scf.for %while3A_79 = %while3A to %while3A_31 step %while3A_32 iter_args(%while3A_80 = %broadcast_in_dim3A_25, %while3A_81 = %broadcast_in_dim3A_25, %while3A_82 = %broadcast_in_dim3A_25) -> (vector<16xf32>, vector<16xf32>, vector<16xf32>)  : i32 {
      %rem3A_83 = arith.constant 2 : i32
      %rem3A_84 = arith.remsi %while3A_79, %rem3A_83 : i32
      %add3A_85 = arith.constant 1 : i32
      %add3A_86 = arith.addi %while3A_79, %add3A_85 : i32
      %lt3A = arith.cmpi slt, %add3A_86, %select_n3A : i32
      %convert_element_type3A_87 = arith.extui %lt3A : i1 to i32
      %cond3A_88 = arith.constant 0 : i32
      %cond3A_89 = arith.cmpi ne, %convert_element_type3A_87, %cond3A_88 : i32
      scf.if %cond3A_89 {
        %add3A_127 = arith.constant 1 : i32
        %add3A_128 = arith.addi %while3A_79, %add3A_127 : i32
        %sub3A_129 = arith.constant 1 : i32
        %sub3A_130 = arith.subi %sub3A_129, %rem3A_84 : i32
        %mul3A_131 = arith.constant 32 : i32
        %mul3A_132 = arith.muli %add3A_128, %mul3A_131 : i32
        %add3A_133 = arith.addi %add3A, %mul3A_132 : i32
        %mul3A_134 = arith.constant 512 : i32
        %mul3A_135 = arith.muli %add3A_133, %mul3A_134 : i32
        %dma_start3A = arith.constant 0 : i32
        %dma_start3A_136 = arith.constant 0 : i32
        %dma_start3A_137 = tpu.memref_slice %arg5[%sub3A_130, %dma_start3A, %dma_start3A_136] : memref<2x8x512xf32, #tpu.memory_space<vmem>> -> memref<1x8x512xf32, #tpu.memory_space<vmem>>
        %dma_start3A_138 = tpu.memref_squeeze %dma_start3A_137 : memref<1x8x512xf32, #tpu.memory_space<vmem>> -> memref<8x512xf32, #tpu.memory_space<vmem>>
        %dma_start3A_139 = arith.constant 56 : i32
        %dma_start3A_140 = tpu.memref_slice %arg2[%dma_start3A_139, %mul3A_135] : memref<64x200000xf32, #tpu.memory_space<hbm>> -> memref<8x512xf32, #tpu.memory_space<hbm>>
        %dma_start3A_141 = tpu.memref_slice %arg8[%sub3A_130] : memref<2x!tpu.dma_semaphore, #tpu.memory_space<semaphore_mem>> -> memref<1x!tpu.dma_semaphore, #tpu.memory_space<semaphore_mem>>
        %dma_start3A_142 = tpu.memref_squeeze %dma_start3A_141 : memref<1x!tpu.dma_semaphore, #tpu.memory_space<semaphore_mem>> -> memref<!tpu.dma_semaphore, #tpu.memory_space<semaphore_mem>>
        %dma_start3A_143 = arith.constant 0 : i32
        %dma_start3A_144 = arith.constant 0 : i32
        %dma_start3A_145 = tpu.memref_slice %arg5[%sub3A_130, %dma_start3A_143, %dma_start3A_144] : memref<2x8x512xf32, #tpu.memory_space<vmem>> -> memref<1x8x512xf32, #tpu.memory_space<vmem>>
        %dma_start3A_146 = tpu.memref_squeeze %dma_start3A_145 : memref<1x8x512xf32, #tpu.memory_space<vmem>> -> memref<8x512xf32, #tpu.memory_space<vmem>>
        %dma_start3A_147 = arith.constant 56 : i32
        %dma_start3A_148 = tpu.memref_slice %arg2[%dma_start3A_147, %mul3A_135] : memref<64x200000xf32, #tpu.memory_space<hbm>> -> memref<8x512xf32, #tpu.memory_space<hbm>>
        tpu.enqueue_dma source(%dma_start3A_148 : memref<8x512xf32, #tpu.memory_space<hbm>>) target(%dma_start3A_146 : memref<8x512xf32, #tpu.memory_space<vmem>>) target_semaphore(%dma_start3A_142 : memref<!tpu.dma_semaphore, #tpu.memory_space<semaphore_mem>>)
        %dma_start3A_149 = arith.constant 0 : i32
        %dma_start3A_150 = arith.constant 0 : i32
        %dma_start3A_151 = tpu.memref_slice %arg6[%sub3A_130, %dma_start3A_149, %dma_start3A_150] : memref<2x8x512xf32, #tpu.memory_space<vmem>> -> memref<1x8x512xf32, #tpu.memory_space<vmem>>
        %dma_start3A_152 = tpu.memref_squeeze %dma_start3A_151 : memref<1x8x512xf32, #tpu.memory_space<vmem>> -> memref<8x512xf32, #tpu.memory_space<vmem>>
        %dma_start3A_153 = arith.constant 56 : i32
        %dma_start3A_154 = tpu.memref_slice %arg3[%dma_start3A_153, %mul3A_135] : memref<64x200000xf32, #tpu.memory_space<hbm>> -> memref<8x512xf32, #tpu.memory_space<hbm>>
        %dma_start3A_155 = tpu.memref_slice %arg8[%sub3A_130] : memref<2x!tpu.dma_semaphore, #tpu.memory_space<semaphore_mem>> -> memref<1x!tpu.dma_semaphore, #tpu.memory_space<semaphore_mem>>
        %dma_start3A_156 = tpu.memref_squeeze %dma_start3A_155 : memref<1x!tpu.dma_semaphore, #tpu.memory_space<semaphore_mem>> -> memref<!tpu.dma_semaphore, #tpu.memory_space<semaphore_mem>>
        %dma_start3A_157 = arith.constant 0 : i32
        %dma_start3A_158 = arith.constant 0 : i32
        %dma_start3A_159 = tpu.memref_slice %arg6[%sub3A_130, %dma_start3A_157, %dma_start3A_158] : memref<2x8x512xf32, #tpu.memory_space<vmem>> -> memref<1x8x512xf32, #tpu.memory_space<vmem>>
        %dma_start3A_160 = tpu.memref_squeeze %dma_start3A_159 : memref<1x8x512xf32, #tpu.memory_space<vmem>> -> memref<8x512xf32, #tpu.memory_space<vmem>>
        %dma_start3A_161 = arith.constant 56 : i32
        %dma_start3A_162 = tpu.memref_slice %arg3[%dma_start3A_161, %mul3A_135] : memref<64x200000xf32, #tpu.memory_space<hbm>> -> memref<8x512xf32, #tpu.memory_space<hbm>>
        tpu.enqueue_dma source(%dma_start3A_162 : memref<8x512xf32, #tpu.memory_space<hbm>>) target(%dma_start3A_160 : memref<8x512xf32, #tpu.memory_space<vmem>>) target_semaphore(%dma_start3A_156 : memref<!tpu.dma_semaphore, #tpu.memory_space<semaphore_mem>>)
      } else {
      }
      %mul3A_90 = arith.constant 32 : i32
      %mul3A_91 = arith.muli %while3A_79, %mul3A_90 : i32
      %add3A_92 = arith.addi %add3A, %mul3A_91 : i32
      %mul3A_93 = arith.constant 512 : i32
      %mul3A_94 = arith.muli %add3A_92, %mul3A_93 : i32
      %dma_wait3A = arith.constant 0 : i32
      %dma_wait3A_95 = arith.constant 0 : i32
      %dma_wait3A_96 = tpu.memref_slice %arg5[%rem3A_84, %dma_wait3A, %dma_wait3A_95] : memref<2x8x512xf32, #tpu.memory_space<vmem>> -> memref<1x8x512xf32, #tpu.memory_space<vmem>>
      %dma_wait3A_97 = tpu.memref_squeeze %dma_wait3A_96 : memref<1x8x512xf32, #tpu.memory_space<vmem>> -> memref<8x512xf32, #tpu.memory_space<vmem>>
      %dma_wait3A_98 = arith.constant 56 : i32
      %dma_wait3A_99 = tpu.memref_slice %arg2[%dma_wait3A_98, %mul3A_94] : memref<64x200000xf32, #tpu.memory_space<hbm>> -> memref<8x512xf32, #tpu.memory_space<hbm>>
      %dma_wait3A_100 = tpu.memref_slice %arg8[%rem3A_84] : memref<2x!tpu.dma_semaphore, #tpu.memory_space<semaphore_mem>> -> memref<1x!tpu.dma_semaphore, #tpu.memory_space<semaphore_mem>>
      %dma_wait3A_101 = tpu.memref_squeeze %dma_wait3A_100 : memref<1x!tpu.dma_semaphore, #tpu.memory_space<semaphore_mem>> -> memref<!tpu.dma_semaphore, #tpu.memory_space<semaphore_mem>>
      %dma_wait3A_102 = arith.constant 0 : i32
      %dma_wait3A_103 = arith.constant 0 : i32
      %dma_wait3A_104 = tpu.memref_slice %arg5[%rem3A_84, %dma_wait3A_102, %dma_wait3A_103] : memref<2x8x512xf32, #tpu.memory_space<vmem>> -> memref<1x8x512xf32, #tpu.memory_space<vmem>>
      %dma_wait3A_105 = tpu.memref_squeeze %dma_wait3A_104 : memref<1x8x512xf32, #tpu.memory_space<vmem>> -> memref<8x512xf32, #tpu.memory_space<vmem>>
      %dma_wait3A_106 = arith.constant 56 : i32
      %dma_wait3A_107 = tpu.memref_slice %arg2[%dma_wait3A_106, %mul3A_94] : memref<64x200000xf32, #tpu.memory_space<hbm>> -> memref<8x512xf32, #tpu.memory_space<hbm>>
      tpu.wait_dma2 semaphore(%dma_wait3A_101 : memref<!tpu.dma_semaphore, #tpu.memory_space<semaphore_mem>>) src(%dma_wait3A_107 : memref<8x512xf32, #tpu.memory_space<hbm>>) dst(%dma_wait3A_105 : memref<8x512xf32, #tpu.memory_space<vmem>>)
      %dma_wait3A_108 = arith.constant 0 : i32
      %dma_wait3A_109 = arith.constant 0 : i32
      %dma_wait3A_110 = tpu.memref_slice %arg6[%rem3A_84, %dma_wait3A_108, %dma_wait3A_109] : memref<2x8x512xf32, #tpu.memory_space<vmem>> -> memref<1x8x512xf32, #tpu.memory_space<vmem>>
      %dma_wait3A_111 = tpu.memref_squeeze %dma_wait3A_110 : memref<1x8x512xf32, #tpu.memory_space<vmem>> -> memref<8x512xf32, #tpu.memory_space<vmem>>
      %dma_wait3A_112 = arith.constant 56 : i32
      %dma_wait3A_113 = tpu.memref_slice %arg3[%dma_wait3A_112, %mul3A_94] : memref<64x200000xf32, #tpu.memory_space<hbm>> -> memref<8x512xf32, #tpu.memory_space<hbm>>
      %dma_wait3A_114 = tpu.memref_slice %arg8[%rem3A_84] : memref<2x!tpu.dma_semaphore, #tpu.memory_space<semaphore_mem>> -> memref<1x!tpu.dma_semaphore, #tpu.memory_space<semaphore_mem>>
      %dma_wait3A_115 = tpu.memref_squeeze %dma_wait3A_114 : memref<1x!tpu.dma_semaphore, #tpu.memory_space<semaphore_mem>> -> memref<!tpu.dma_semaphore, #tpu.memory_space<semaphore_mem>>
      %dma_wait3A_116 = arith.constant 0 : i32
      %dma_wait3A_117 = arith.constant 0 : i32
      %dma_wait3A_118 = tpu.memref_slice %arg6[%rem3A_84, %dma_wait3A_116, %dma_wait3A_117] : memref<2x8x512xf32, #tpu.memory_space<vmem>> -> memref<1x8x512xf32, #tpu.memory_space<vmem>>
      %dma_wait3A_119 = tpu.memref_squeeze %dma_wait3A_118 : memref<1x8x512xf32, #tpu.memory_space<vmem>> -> memref<8x512xf32, #tpu.memory_space<vmem>>
      %dma_wait3A_120 = arith.constant 56 : i32
      %dma_wait3A_121 = tpu.memref_slice %arg3[%dma_wait3A_120, %mul3A_94] : memref<64x200000xf32, #tpu.memory_space<hbm>> -> memref<8x512xf32, #tpu.memory_space<hbm>>
      tpu.wait_dma2 semaphore(%dma_wait3A_115 : memref<!tpu.dma_semaphore, #tpu.memory_space<semaphore_mem>>) src(%dma_wait3A_121 : memref<8x512xf32, #tpu.memory_space<hbm>>) dst(%dma_wait3A_119 : memref<8x512xf32, #tpu.memory_space<vmem>>)
      %scan3A = arith.constant 0 : i32
      %scan3A_122 = arith.constant 8 : i32
      %scan3A_123 = arith.addi %scan3A, %scan3A_122 : i32
      %scan3A_124 = arith.constant 1 : i32
      %scan3A_125:3 = scf.for %scan3A_127 = %scan3A to %scan3A_123 step %scan3A_124 iter_args(%scan3A_128 = %while3A_80, %scan3A_129 = %while3A_81, %scan3A_130 = %while3A_82) -> (vector<16xf32>, vector<16xf32>, vector<16xf32>)  : i32 {
        %scan3A_131 = arith.constant 0 : i32
        %scan3A_132 = arith.constant 32 : i32
        %scan3A_133 = arith.addi %scan3A_131, %scan3A_132 : i32
        %scan3A_134 = arith.constant 8 : i32
        %scan3A_135:3 = scf.for %scan3A_137 = %scan3A_131 to %scan3A_133 step %scan3A_134 iter_args(%scan3A_138 = %scan3A_128, %scan3A_139 = %scan3A_129, %scan3A_140 = %scan3A_130) -> (vector<16xf32>, vector<16xf32>, vector<16xf32>)  : i32 {
          %mul3A_141 = arith.constant 16 : i32
          %mul3A_142 = arith.muli %scan3A_137, %mul3A_141 : i32
          %get3A = arith.index_cast %rem3A_84 : i32 to index
          %get3A_143 = arith.index_cast %scan3A_127 : i32 to index
          %get3A_144 = arith.index_cast %mul3A_142 : i32 to index
          %get3A_145 = tpu.vector_load %arg5[%get3A, %get3A_143, %get3A_144] {strides = array<i32>} : memref<2x8x512xf32, #tpu.memory_space<vmem>>, vector<1x1x16xf32>,
          %get3A_146 = vector.shape_cast %get3A_145 : vector<1x1x16xf32> to vector<16xf32>
          %mul3A_147 = arith.constant 16 : i32
          %mul3A_148 = arith.muli %scan3A_137, %mul3A_147 : i32
          %get3A_149 = arith.index_cast %rem3A_84 : i32 to index
          %get3A_150 = arith.index_cast %scan3A_127 : i32 to index
          %get3A_151 = arith.index_cast %mul3A_148 : i32 to index
          %get3A_152 = tpu.vector_load %arg6[%get3A_149, %get3A_150, %get3A_151] {strides = array<i32>} : memref<2x8x512xf32, #tpu.memory_space<vmem>>, vector<1x1x16xf32>,
          %get3A_153 = vector.shape_cast %get3A_152 : vector<1x1x16xf32> to vector<16xf32>
          %abs3A = math.absf %get3A_146 : vector<16xf32>
          %neg3A = arith.constant 0.000000e+00 : f32
          %neg3A_154 = vector.broadcast %neg3A : f32 to vector<16xf32>
          %neg3A_155 = arith.subf %neg3A_154, %abs3A : vector<16xf32>
          %exp3A = math.exp %neg3A_155 : vector<16xf32>
          %mul3A_156 = arith.constant 0.105843775 : f32
          %mul3A_157 = vector.broadcast %mul3A_156 : f32 to vector<16xf32>
          %mul3A_158 = arith.mulf %mul3A_157, %exp3A : vector<16xf32>
          %add3A_159 = arith.constant -0.394195616 : f32
          %add3A_160 = vector.broadcast %add3A_159 : f32 to vector<16xf32>
          %add3A_161 = arith.addf %mul3A_158, %add3A_160 : vector<16xf32>
          %mul3A_162 = arith.mulf %add3A_161, %exp3A : vector<16xf32>
          %add3A_163 = arith.constant 9.812560e-01 : f32
          %add3A_164 = vector.broadcast %add3A_163 : f32 to vector<16xf32>
          %add3A_165 = arith.addf %mul3A_162, %add3A_164 : vector<16xf32>
          %mul3A_166 = arith.mulf %add3A_165, %exp3A : vector<16xf32>
          %add3A_167 = arith.constant 5.72167221E-4 : f32
          %add3A_168 = vector.broadcast %add3A_167 : f32 to vector<16xf32>
          %add3A_169 = arith.addf %mul3A_166, %add3A_168 : vector<16xf32>
          %mul3A_170 = arith.constant 0.323232323 : f32
          %mul3A_171 = vector.broadcast %mul3A_170 : f32 to vector<16xf32>
          %mul3A_172 = arith.mulf %mul3A_171, %exp3A : vector<16xf32>
          %add3A_173 = arith.constant -0.808080792 : f32
          %add3A_174 = vector.broadcast %add3A_173 : f32 to vector<16xf32>
          %add3A_175 = arith.addf %mul3A_172, %add3A_174 : vector<16xf32>
          %mul3A_176 = arith.mulf %add3A_175, %exp3A : vector<16xf32>
          %add3A_177 = arith.constant 0.989898979 : f32
          %add3A_178 = vector.broadcast %add3A_177 : f32 to vector<16xf32>
          %add3A_179 = arith.addf %mul3A_176, %add3A_178 : vector<16xf32>
          %gt3A_180 = arith.constant 0.000000e+00 : f32
          %gt3A_181 = vector.broadcast %gt3A_180 : f32 to vector<16xf32>
          %gt3A_182 = arith.cmpf ogt, %get3A_146, %gt3A_181 : vector<16xf32>
          %sub3A_183 = arith.constant 1.000000e+00 : f32
          %sub3A_184 = vector.broadcast %sub3A_183 : f32 to vector<16xf32>
          %sub3A_185 = arith.subf %sub3A_184, %add3A_179 : vector<16xf32>
          %select_n3A_186 = arith.select %gt3A_182, %add3A_179, %sub3A_185 : vector<16xi1>, vector<16xf32>
          %jit3A_187 = arith.constant 0.000000e+00 : f32
          %broadcast_in_dim3A_188 = vector.broadcast %jit3A_187 : f32 to vector<16xf32>
          %select_n3A_189 = arith.select %gt3A_182, %get3A_146, %broadcast_in_dim3A_188 : vector<16xi1>, vector<16xf32>
          %add3A_190 = arith.addf %select_n3A_189, %add3A_169 : vector<16xf32>
          %add3A_191 = arith.addf %scan3A_138, %get3A_153 : vector<16xf32>
          %mul3A_192 = arith.mulf %get3A_153, %add3A_190 : vector<16xf32>
          %add3A_193 = arith.addf %scan3A_139, %mul3A_192 : vector<16xf32>
          %mul3A_194 = arith.mulf %get3A_153, %select_n3A_186 : vector<16xf32>
          %add3A_195 = arith.addf %scan3A_140, %mul3A_194 : vector<16xf32>
          %scan3A_196 = arith.constant 1 : i32
          %scan3A_197 = arith.addi %scan3A_137, %scan3A_196 : i32
          %mul3A_198 = arith.constant 16 : i32
          %mul3A_199 = arith.muli %scan3A_197, %mul3A_198 : i32
          %get3A_200 = arith.index_cast %rem3A_84 : i32 to index
          %get3A_201 = arith.index_cast %scan3A_127 : i32 to index
          %get3A_202 = arith.index_cast %mul3A_199 : i32 to index
          %get3A_203 = tpu.vector_load %arg5[%get3A_200, %get3A_201, %get3A_202] {strides = array<i32>} : memref<2x8x512xf32, #tpu.memory_space<vmem>>, vector<1x1x16xf32>,
          %get3A_204 = vector.shape_cast %get3A_203 : vector<1x1x16xf32> to vector<16xf32>
          %mul3A_205 = arith.constant 16 : i32
          %mul3A_206 = arith.muli %scan3A_197, %mul3A_205 : i32
          %get3A_207 = arith.index_cast %rem3A_84 : i32 to index
          %get3A_208 = arith.index_cast %scan3A_127 : i32 to index
          %get3A_209 = arith.index_cast %mul3A_206 : i32 to index
          %get3A_210 = tpu.vector_load %arg6[%get3A_207, %get3A_208, %get3A_209] {strides = array<i32>} : memref<2x8x512xf32, #tpu.memory_space<vmem>>, vector<1x1x16xf32>,
          %get3A_211 = vector.shape_cast %get3A_210 : vector<1x1x16xf32> to vector<16xf32>
          %abs3A_212 = math.absf %get3A_204 : vector<16xf32>
          %neg3A_213 = arith.constant 0.000000e+00 : f32
          %neg3A_214 = vector.broadcast %neg3A_213 : f32 to vector<16xf32>
          %neg3A_215 = arith.subf %neg3A_214, %abs3A_212 : vector<16xf32>
          %exp3A_216 = math.exp %neg3A_215 : vector<16xf32>
          %mul3A_217 = arith.constant 0.105843775 : f32
          %mul3A_218 = vector.broadcast %mul3A_217 : f32 to vector<16xf32>
          %mul3A_219 = arith.mulf %mul3A_218, %exp3A_216 : vector<16xf32>
          %add3A_220 = arith.constant -0.394195616 : f32
          %add3A_221 = vector.broadcast %add3A_220 : f32 to vector<16xf32>
          %add3A_222 = arith.addf %mul3A_219, %add3A_221 : vector<16xf32>
          %mul3A_223 = arith.mulf %add3A_222, %exp3A_216 : vector<16xf32>
          %add3A_224 = arith.constant 9.812560e-01 : f32
          %add3A_225 = vector.broadcast %add3A_224 : f32 to vector<16xf32>
          %add3A_226 = arith.addf %mul3A_223, %add3A_225 : vector<16xf32>
          %mul3A_227 = arith.mulf %add3A_226, %exp3A_216 : vector<16xf32>
          %add3A_228 = arith.constant 5.72167221E-4 : f32
          %add3A_229 = vector.broadcast %add3A_228 : f32 to vector<16xf32>
          %add3A_230 = arith.addf %mul3A_227, %add3A_229 : vector<16xf32>
          %mul3A_231 = arith.constant 0.323232323 : f32
          %mul3A_232 = vector.broadcast %mul3A_231 : f32 to vector<16xf32>
          %mul3A_233 = arith.mulf %mul3A_232, %exp3A_216 : vector<16xf32>
          %add3A_234 = arith.constant -0.808080792 : f32
          %add3A_235 = vector.broadcast %add3A_234 : f32 to vector<16xf32>
          %add3A_236 = arith.addf %mul3A_233, %add3A_235 : vector<16xf32>
          %mul3A_237 = arith.mulf %add3A_236, %exp3A_216 : vector<16xf32>
          %add3A_238 = arith.constant 0.989898979 : f32
          %add3A_239 = vector.broadcast %add3A_238 : f32 to vector<16xf32>
          %add3A_240 = arith.addf %mul3A_237, %add3A_239 : vector<16xf32>
          %gt3A_241 = arith.constant 0.000000e+00 : f32
          %gt3A_242 = vector.broadcast %gt3A_241 : f32 to vector<16xf32>
          %gt3A_243 = arith.cmpf ogt, %get3A_204, %gt3A_242 : vector<16xf32>
          %sub3A_244 = arith.constant 1.000000e+00 : f32
          %sub3A_245 = vector.broadcast %sub3A_244 : f32 to vector<16xf32>
          %sub3A_246 = arith.subf %sub3A_245, %add3A_240 : vector<16xf32>
          %select_n3A_247 = arith.select %gt3A_243, %add3A_240, %sub3A_246 : vector<16xi1>, vector<16xf32>
          %jit3A_248 = arith.constant 0.000000e+00 : f32
          %broadcast_in_dim3A_249 = vector.broadcast %jit3A_248 : f32 to vector<16xf32>
          %select_n3A_250 = arith.select %gt3A_243, %get3A_204, %broadcast_in_dim3A_249 : vector<16xi1>, vector<16xf32>
          %add3A_251 = arith.addf %select_n3A_250, %add3A_230 : vector<16xf32>
          %add3A_252 = arith.addf %add3A_191, %get3A_211 : vector<16xf32>
          %mul3A_253 = arith.mulf %get3A_211, %add3A_251 : vector<16xf32>
          %add3A_254 = arith.addf %add3A_193, %mul3A_253 : vector<16xf32>
          %mul3A_255 = arith.mulf %get3A_211, %select_n3A_247 : vector<16xf32>
          %add3A_256 = arith.addf %add3A_195, %mul3A_255 : vector<16xf32>
          %scan3A_257 = arith.constant 2 : i32
          %scan3A_258 = arith.addi %scan3A_137, %scan3A_257 : i32
          %mul3A_259 = arith.constant 16 : i32
          %mul3A_260 = arith.muli %scan3A_258, %mul3A_259 : i32
          %get3A_261 = arith.index_cast %rem3A_84 : i32 to index
          %get3A_262 = arith.index_cast %scan3A_127 : i32 to index
          %get3A_263 = arith.index_cast %mul3A_260 : i32 to index
          %get3A_264 = tpu.vector_load %arg5[%get3A_261, %get3A_262, %get3A_263] {strides = array<i32>} : memref<2x8x512xf32, #tpu.memory_space<vmem>>, vector<1x1x16xf32>,
          %get3A_265 = vector.shape_cast %get3A_264 : vector<1x1x16xf32> to vector<16xf32>
          %mul3A_266 = arith.constant 16 : i32
          %mul3A_267 = arith.muli %scan3A_258, %mul3A_266 : i32
          %get3A_268 = arith.index_cast %rem3A_84 : i32 to index
          %get3A_269 = arith.index_cast %scan3A_127 : i32 to index
          %get3A_270 = arith.index_cast %mul3A_267 : i32 to index
          %get3A_271 = tpu.vector_load %arg6[%get3A_268, %get3A_269, %get3A_270] {strides = array<i32>} : memref<2x8x512xf32, #tpu.memory_space<vmem>>, vector<1x1x16xf32>,
          %get3A_272 = vector.shape_cast %get3A_271 : vector<1x1x16xf32> to vector<16xf32>
          %abs3A_273 = math.absf %get3A_265 : vector<16xf32>
          %neg3A_274 = arith.constant 0.000000e+00 : f32
          %neg3A_275 = vector.broadcast %neg3A_274 : f32 to vector<16xf32>
          %neg3A_276 = arith.subf %neg3A_275, %abs3A_273 : vector<16xf32>
          %exp3A_277 = math.exp %neg3A_276 : vector<16xf32>
          %mul3A_278 = arith.constant 0.105843775 : f32
          %mul3A_279 = vector.broadcast %mul3A_278 : f32 to vector<16xf32>
          %mul3A_280 = arith.mulf %mul3A_279, %exp3A_277 : vector<16xf32>
          %add3A_281 = arith.constant -0.394195616 : f32
          %add3A_282 = vector.broadcast %add3A_281 : f32 to vector<16xf32>
          %add3A_283 = arith.addf %mul3A_280, %add3A_282 : vector<16xf32>
          %mul3A_284 = arith.mulf %add3A_283, %exp3A_277 : vector<16xf32>
          %add3A_285 = arith.constant 9.812560e-01 : f32
          %add3A_286 = vector.broadcast %add3A_285 : f32 to vector<16xf32>
          %add3A_287 = arith.addf %mul3A_284, %add3A_286 : vector<16xf32>
          %mul3A_288 = arith.mulf %add3A_287, %exp3A_277 : vector<16xf32>
          %add3A_289 = arith.constant 5.72167221E-4 : f32
          %add3A_290 = vector.broadcast %add3A_289 : f32 to vector<16xf32>
          %add3A_291 = arith.addf %mul3A_288, %add3A_290 : vector<16xf32>
          %mul3A_292 = arith.constant 0.323232323 : f32
          %mul3A_293 = vector.broadcast %mul3A_292 : f32 to vector<16xf32>
          %mul3A_294 = arith.mulf %mul3A_293, %exp3A_277 : vector<16xf32>
          %add3A_295 = arith.constant -0.808080792 : f32
          %add3A_296 = vector.broadcast %add3A_295 : f32 to vector<16xf32>
          %add3A_297 = arith.addf %mul3A_294, %add3A_296 : vector<16xf32>
          %mul3A_298 = arith.mulf %add3A_297, %exp3A_277 : vector<16xf32>
          %add3A_299 = arith.constant 0.989898979 : f32
          %add3A_300 = vector.broadcast %add3A_299 : f32 to vector<16xf32>
          %add3A_301 = arith.addf %mul3A_298, %add3A_300 : vector<16xf32>
          %gt3A_302 = arith.constant 0.000000e+00 : f32
          %gt3A_303 = vector.broadcast %gt3A_302 : f32 to vector<16xf32>
          %gt3A_304 = arith.cmpf ogt, %get3A_265, %gt3A_303 : vector<16xf32>
          %sub3A_305 = arith.constant 1.000000e+00 : f32
          %sub3A_306 = vector.broadcast %sub3A_305 : f32 to vector<16xf32>
          %sub3A_307 = arith.subf %sub3A_306, %add3A_301 : vector<16xf32>
          %select_n3A_308 = arith.select %gt3A_304, %add3A_301, %sub3A_307 : vector<16xi1>, vector<16xf32>
          %jit3A_309 = arith.constant 0.000000e+00 : f32
          %broadcast_in_dim3A_310 = vector.broadcast %jit3A_309 : f32 to vector<16xf32>
          %select_n3A_311 = arith.select %gt3A_304, %get3A_265, %broadcast_in_dim3A_310 : vector<16xi1>, vector<16xf32>
          %add3A_312 = arith.addf %select_n3A_311, %add3A_291 : vector<16xf32>
          %add3A_313 = arith.addf %add3A_252, %get3A_272 : vector<16xf32>
          %mul3A_314 = arith.mulf %get3A_272, %add3A_312 : vector<16xf32>
          %add3A_315 = arith.addf %add3A_254, %mul3A_314 : vector<16xf32>
          %mul3A_316 = arith.mulf %get3A_272, %select_n3A_308 : vector<16xf32>
          %add3A_317 = arith.addf %add3A_256, %mul3A_316 : vector<16xf32>
          %scan3A_318 = arith.constant 3 : i32
          %scan3A_319 = arith.addi %scan3A_137, %scan3A_318 : i32
          %mul3A_320 = arith.constant 16 : i32
          %mul3A_321 = arith.muli %scan3A_319, %mul3A_320 : i32
          %get3A_322 = arith.index_cast %rem3A_84 : i32 to index
          %get3A_323 = arith.index_cast %scan3A_127 : i32 to index
          %get3A_324 = arith.index_cast %mul3A_321 : i32 to index
          %get3A_325 = tpu.vector_load %arg5[%get3A_322, %get3A_323, %get3A_324] {strides = array<i32>} : memref<2x8x512xf32, #tpu.memory_space<vmem>>, vector<1x1x16xf32>,
          %get3A_326 = vector.shape_cast %get3A_325 : vector<1x1x16xf32> to vector<16xf32>
          %mul3A_327 = arith.constant 16 : i32
          %mul3A_328 = arith.muli %scan3A_319, %mul3A_327 : i32
          %get3A_329 = arith.index_cast %rem3A_84 : i32 to index
          %get3A_330 = arith.index_cast %scan3A_127 : i32 to index
          %get3A_331 = arith.index_cast %mul3A_328 : i32 to index
          %get3A_332 = tpu.vector_load %arg6[%get3A_329, %get3A_330, %get3A_331] {strides = array<i32>} : memref<2x8x512xf32, #tpu.memory_space<vmem>>, vector<1x1x16xf32>,
          %get3A_333 = vector.shape_cast %get3A_332 : vector<1x1x16xf32> to vector<16xf32>
          %abs3A_334 = math.absf %get3A_326 : vector<16xf32>
          %neg3A_335 = arith.constant 0.000000e+00 : f32
          %neg3A_336 = vector.broadcast %neg3A_335 : f32 to vector<16xf32>
          %neg3A_337 = arith.subf %neg3A_336, %abs3A_334 : vector<16xf32>
          %exp3A_338 = math.exp %neg3A_337 : vector<16xf32>
          %mul3A_339 = arith.constant 0.105843775 : f32
          %mul3A_340 = vector.broadcast %mul3A_339 : f32 to vector<16xf32>
          %mul3A_341 = arith.mulf %mul3A_340, %exp3A_338 : vector<16xf32>
          %add3A_342 = arith.constant -0.394195616 : f32
          %add3A_343 = vector.broadcast %add3A_342 : f32 to vector<16xf32>
          %add3A_344 = arith.addf %mul3A_341, %add3A_343 : vector<16xf32>
          %mul3A_345 = arith.mulf %add3A_344, %exp3A_338 : vector<16xf32>
          %add3A_346 = arith.constant 9.812560e-01 : f32
          %add3A_347 = vector.broadcast %add3A_346 : f32 to vector<16xf32>
          %add3A_348 = arith.addf %mul3A_345, %add3A_347 : vector<16xf32>
          %mul3A_349 = arith.mulf %add3A_348, %exp3A_338 : vector<16xf32>
          %add3A_350 = arith.constant 5.72167221E-4 : f32
          %add3A_351 = vector.broadcast %add3A_350 : f32 to vector<16xf32>
          %add3A_352 = arith.addf %mul3A_349, %add3A_351 : vector<16xf32>
          %mul3A_353 = arith.constant 0.323232323 : f32
          %mul3A_354 = vector.broadcast %mul3A_353 : f32 to vector<16xf32>
          %mul3A_355 = arith.mulf %mul3A_354, %exp3A_338 : vector<16xf32>
          %add3A_356 = arith.constant -0.808080792 : f32
          %add3A_357 = vector.broadcast %add3A_356 : f32 to vector<16xf32>
          %add3A_358 = arith.addf %mul3A_355, %add3A_357 : vector<16xf32>
          %mul3A_359 = arith.mulf %add3A_358, %exp3A_338 : vector<16xf32>
          %add3A_360 = arith.constant 0.989898979 : f32
          %add3A_361 = vector.broadcast %add3A_360 : f32 to vector<16xf32>
          %add3A_362 = arith.addf %mul3A_359, %add3A_361 : vector<16xf32>
          %gt3A_363 = arith.constant 0.000000e+00 : f32
          %gt3A_364 = vector.broadcast %gt3A_363 : f32 to vector<16xf32>
          %gt3A_365 = arith.cmpf ogt, %get3A_326, %gt3A_364 : vector<16xf32>
          %sub3A_366 = arith.constant 1.000000e+00 : f32
          %sub3A_367 = vector.broadcast %sub3A_366 : f32 to vector<16xf32>
          %sub3A_368 = arith.subf %sub3A_367, %add3A_362 : vector<16xf32>
          %select_n3A_369 = arith.select %gt3A_365, %add3A_362, %sub3A_368 : vector<16xi1>, vector<16xf32>
          %jit3A_370 = arith.constant 0.000000e+00 : f32
          %broadcast_in_dim3A_371 = vector.broadcast %jit3A_370 : f32 to vector<16xf32>
          %select_n3A_372 = arith.select %gt3A_365, %get3A_326, %broadcast_in_dim3A_371 : vector<16xi1>, vector<16xf32>
          %add3A_373 = arith.addf %select_n3A_372, %add3A_352 : vector<16xf32>
          %add3A_374 = arith.addf %add3A_313, %get3A_333 : vector<16xf32>
          %mul3A_375 = arith.mulf %get3A_333, %add3A_373 : vector<16xf32>
          %add3A_376 = arith.addf %add3A_315, %mul3A_375 : vector<16xf32>
          %mul3A_377 = arith.mulf %get3A_333, %select_n3A_369 : vector<16xf32>
          %add3A_378 = arith.addf %add3A_317, %mul3A_377 : vector<16xf32>
          %scan3A_379 = arith.constant 4 : i32
          %scan3A_380 = arith.addi %scan3A_137, %scan3A_379 : i32
          %mul3A_381 = arith.constant 16 : i32
          %mul3A_382 = arith.muli %scan3A_380, %mul3A_381 : i32
          %get3A_383 = arith.index_cast %rem3A_84 : i32 to index
          %get3A_384 = arith.index_cast %scan3A_127 : i32 to index
          %get3A_385 = arith.index_cast %mul3A_382 : i32 to index
          %get3A_386 = tpu.vector_load %arg5[%get3A_383, %get3A_384, %get3A_385] {strides = array<i32>} : memref<2x8x512xf32, #tpu.memory_space<vmem>>, vector<1x1x16xf32>,
          %get3A_387 = vector.shape_cast %get3A_386 : vector<1x1x16xf32> to vector<16xf32>
          %mul3A_388 = arith.constant 16 : i32
          %mul3A_389 = arith.muli %scan3A_380, %mul3A_388 : i32
          %get3A_390 = arith.index_cast %rem3A_84 : i32 to index
          %get3A_391 = arith.index_cast %scan3A_127 : i32 to index
          %get3A_392 = arith.index_cast %mul3A_389 : i32 to index
          %get3A_393 = tpu.vector_load %arg6[%get3A_390, %get3A_391, %get3A_392] {strides = array<i32>} : memref<2x8x512xf32, #tpu.memory_space<vmem>>, vector<1x1x16xf32>,
          %get3A_394 = vector.shape_cast %get3A_393 : vector<1x1x16xf32> to vector<16xf32>
          %abs3A_395 = math.absf %get3A_387 : vector<16xf32>
          %neg3A_396 = arith.constant 0.000000e+00 : f32
          %neg3A_397 = vector.broadcast %neg3A_396 : f32 to vector<16xf32>
          %neg3A_398 = arith.subf %neg3A_397, %abs3A_395 : vector<16xf32>
          %exp3A_399 = math.exp %neg3A_398 : vector<16xf32>
          %mul3A_400 = arith.constant 0.105843775 : f32
          %mul3A_401 = vector.broadcast %mul3A_400 : f32 to vector<16xf32>
          %mul3A_402 = arith.mulf %mul3A_401, %exp3A_399 : vector<16xf32>
          %add3A_403 = arith.constant -0.394195616 : f32
          %add3A_404 = vector.broadcast %add3A_403 : f32 to vector<16xf32>
          %add3A_405 = arith.addf %mul3A_402, %add3A_404 : vector<16xf32>
          %mul3A_406 = arith.mulf %add3A_405, %exp3A_399 : vector<16xf32>
          %add3A_407 = arith.constant 9.812560e-01 : f32
          %add3A_408 = vector.broadcast %add3A_407 : f32 to vector<16xf32>
          %add3A_409 = arith.addf %mul3A_406, %add3A_408 : vector<16xf32>
          %mul3A_410 = arith.mulf %add3A_409, %exp3A_399 : vector<16xf32>
          %add3A_411 = arith.constant 5.72167221E-4 : f32
          %add3A_412 = vector.broadcast %add3A_411 : f32 to vector<16xf32>
          %add3A_413 = arith.addf %mul3A_410, %add3A_412 : vector<16xf32>
          %mul3A_414 = arith.constant 0.323232323 : f32
          %mul3A_415 = vector.broadcast %mul3A_414 : f32 to vector<16xf32>
          %mul3A_416 = arith.mulf %mul3A_415, %exp3A_399 : vector<16xf32>
          %add3A_417 = arith.constant -0.808080792 : f32
          %add3A_418 = vector.broadcast %add3A_417 : f32 to vector<16xf32>
          %add3A_419 = arith.addf %mul3A_416, %add3A_418 : vector<16xf32>
          %mul3A_420 = arith.mulf %add3A_419, %exp3A_399 : vector<16xf32>
          %add3A_421 = arith.constant 0.989898979 : f32
          %add3A_422 = vector.broadcast %add3A_421 : f32 to vector<16xf32>
          %add3A_423 = arith.addf %mul3A_420, %add3A_422 : vector<16xf32>
          %gt3A_424 = arith.constant 0.000000e+00 : f32
          %gt3A_425 = vector.broadcast %gt3A_424 : f32 to vector<16xf32>
          %gt3A_426 = arith.cmpf ogt, %get3A_387, %gt3A_425 : vector<16xf32>
          %sub3A_427 = arith.constant 1.000000e+00 : f32
          %sub3A_428 = vector.broadcast %sub3A_427 : f32 to vector<16xf32>
          %sub3A_429 = arith.subf %sub3A_428, %add3A_423 : vector<16xf32>
          %select_n3A_430 = arith.select %gt3A_426, %add3A_423, %sub3A_429 : vector<16xi1>, vector<16xf32>
          %jit3A_431 = arith.constant 0.000000e+00 : f32
          %broadcast_in_dim3A_432 = vector.broadcast %jit3A_431 : f32 to vector<16xf32>
          %select_n3A_433 = arith.select %gt3A_426, %get3A_387, %broadcast_in_dim3A_432 : vector<16xi1>, vector<16xf32>
          %add3A_434 = arith.addf %select_n3A_433, %add3A_413 : vector<16xf32>
          %add3A_435 = arith.addf %add3A_374, %get3A_394 : vector<16xf32>
          %mul3A_436 = arith.mulf %get3A_394, %add3A_434 : vector<16xf32>
          %add3A_437 = arith.addf %add3A_376, %mul3A_436 : vector<16xf32>
          %mul3A_438 = arith.mulf %get3A_394, %select_n3A_430 : vector<16xf32>
          %add3A_439 = arith.addf %add3A_378, %mul3A_438 : vector<16xf32>
          %scan3A_440 = arith.constant 5 : i32
          %scan3A_441 = arith.addi %scan3A_137, %scan3A_440 : i32
          %mul3A_442 = arith.constant 16 : i32
          %mul3A_443 = arith.muli %scan3A_441, %mul3A_442 : i32
          %get3A_444 = arith.index_cast %rem3A_84 : i32 to index
          %get3A_445 = arith.index_cast %scan3A_127 : i32 to index
          %get3A_446 = arith.index_cast %mul3A_443 : i32 to index
          %get3A_447 = tpu.vector_load %arg5[%get3A_444, %get3A_445, %get3A_446] {strides = array<i32>} : memref<2x8x512xf32, #tpu.memory_space<vmem>>, vector<1x1x16xf32>,
          %get3A_448 = vector.shape_cast %get3A_447 : vector<1x1x16xf32> to vector<16xf32>
          %mul3A_449 = arith.constant 16 : i32
          %mul3A_450 = arith.muli %scan3A_441, %mul3A_449 : i32
          %get3A_451 = arith.index_cast %rem3A_84 : i32 to index
          %get3A_452 = arith.index_cast %scan3A_127 : i32 to index
          %get3A_453 = arith.index_cast %mul3A_450 : i32 to index
          %get3A_454 = tpu.vector_load %arg6[%get3A_451, %get3A_452, %get3A_453] {strides = array<i32>} : memref<2x8x512xf32, #tpu.memory_space<vmem>>, vector<1x1x16xf32>,
          %get3A_455 = vector.shape_cast %get3A_454 : vector<1x1x16xf32> to vector<16xf32>
          %abs3A_456 = math.absf %get3A_448 : vector<16xf32>
          %neg3A_457 = arith.constant 0.000000e+00 : f32
          %neg3A_458 = vector.broadcast %neg3A_457 : f32 to vector<16xf32>
          %neg3A_459 = arith.subf %neg3A_458, %abs3A_456 : vector<16xf32>
          %exp3A_460 = math.exp %neg3A_459 : vector<16xf32>
          %mul3A_461 = arith.constant 0.105843775 : f32
          %mul3A_462 = vector.broadcast %mul3A_461 : f32 to vector<16xf32>
          %mul3A_463 = arith.mulf %mul3A_462, %exp3A_460 : vector<16xf32>
          %add3A_464 = arith.constant -0.394195616 : f32
          %add3A_465 = vector.broadcast %add3A_464 : f32 to vector<16xf32>
          %add3A_466 = arith.addf %mul3A_463, %add3A_465 : vector<16xf32>
          %mul3A_467 = arith.mulf %add3A_466, %exp3A_460 : vector<16xf32>
          %add3A_468 = arith.constant 9.812560e-01 : f32
          %add3A_469 = vector.broadcast %add3A_468 : f32 to vector<16xf32>
          %add3A_470 = arith.addf %mul3A_467, %add3A_469 : vector<16xf32>
          %mul3A_471 = arith.mulf %add3A_470, %exp3A_460 : vector<16xf32>
          %add3A_472 = arith.constant 5.72167221E-4 : f32
          %add3A_473 = vector.broadcast %add3A_472 : f32 to vector<16xf32>
          %add3A_474 = arith.addf %mul3A_471, %add3A_473 : vector<16xf32>
          %mul3A_475 = arith.constant 0.323232323 : f32
          %mul3A_476 = vector.broadcast %mul3A_475 : f32 to vector<16xf32>
          %mul3A_477 = arith.mulf %mul3A_476, %exp3A_460 : vector<16xf32>
          %add3A_478 = arith.constant -0.808080792 : f32
          %add3A_479 = vector.broadcast %add3A_478 : f32 to vector<16xf32>
          %add3A_480 = arith.addf %mul3A_477, %add3A_479 : vector<16xf32>
          %mul3A_481 = arith.mulf %add3A_480, %exp3A_460 : vector<16xf32>
          %add3A_482 = arith.constant 0.989898979 : f32
          %add3A_483 = vector.broadcast %add3A_482 : f32 to vector<16xf32>
          %add3A_484 = arith.addf %mul3A_481, %add3A_483 : vector<16xf32>
          %gt3A_485 = arith.constant 0.000000e+00 : f32
          %gt3A_486 = vector.broadcast %gt3A_485 : f32 to vector<16xf32>
          %gt3A_487 = arith.cmpf ogt, %get3A_448, %gt3A_486 : vector<16xf32>
          %sub3A_488 = arith.constant 1.000000e+00 : f32
          %sub3A_489 = vector.broadcast %sub3A_488 : f32 to vector<16xf32>
          %sub3A_490 = arith.subf %sub3A_489, %add3A_484 : vector<16xf32>
          %select_n3A_491 = arith.select %gt3A_487, %add3A_484, %sub3A_490 : vector<16xi1>, vector<16xf32>
          %jit3A_492 = arith.constant 0.000000e+00 : f32
          %broadcast_in_dim3A_493 = vector.broadcast %jit3A_492 : f32 to vector<16xf32>
          %select_n3A_494 = arith.select %gt3A_487, %get3A_448, %broadcast_in_dim3A_493 : vector<16xi1>, vector<16xf32>
          %add3A_495 = arith.addf %select_n3A_494, %add3A_474 : vector<16xf32>
          %add3A_496 = arith.addf %add3A_435, %get3A_455 : vector<16xf32>
          %mul3A_497 = arith.mulf %get3A_455, %add3A_495 : vector<16xf32>
          %add3A_498 = arith.addf %add3A_437, %mul3A_497 : vector<16xf32>
          %mul3A_499 = arith.mulf %get3A_455, %select_n3A_491 : vector<16xf32>
          %add3A_500 = arith.addf %add3A_439, %mul3A_499 : vector<16xf32>
          %scan3A_501 = arith.constant 6 : i32
          %scan3A_502 = arith.addi %scan3A_137, %scan3A_501 : i32
          %mul3A_503 = arith.constant 16 : i32
          %mul3A_504 = arith.muli %scan3A_502, %mul3A_503 : i32
          %get3A_505 = arith.index_cast %rem3A_84 : i32 to index
          %get3A_506 = arith.index_cast %scan3A_127 : i32 to index
          %get3A_507 = arith.index_cast %mul3A_504 : i32 to index
          %get3A_508 = tpu.vector_load %arg5[%get3A_505, %get3A_506, %get3A_507] {strides = array<i32>} : memref<2x8x512xf32, #tpu.memory_space<vmem>>, vector<1x1x16xf32>,
          %get3A_509 = vector.shape_cast %get3A_508 : vector<1x1x16xf32> to vector<16xf32>
          %mul3A_510 = arith.constant 16 : i32
          %mul3A_511 = arith.muli %scan3A_502, %mul3A_510 : i32
          %get3A_512 = arith.index_cast %rem3A_84 : i32 to index
          %get3A_513 = arith.index_cast %scan3A_127 : i32 to index
          %get3A_514 = arith.index_cast %mul3A_511 : i32 to index
          %get3A_515 = tpu.vector_load %arg6[%get3A_512, %get3A_513, %get3A_514] {strides = array<i32>} : memref<2x8x512xf32, #tpu.memory_space<vmem>>, vector<1x1x16xf32>,
          %get3A_516 = vector.shape_cast %get3A_515 : vector<1x1x16xf32> to vector<16xf32>
          %abs3A_517 = math.absf %get3A_509 : vector<16xf32>
          %neg3A_518 = arith.constant 0.000000e+00 : f32
          %neg3A_519 = vector.broadcast %neg3A_518 : f32 to vector<16xf32>
          %neg3A_520 = arith.subf %neg3A_519, %abs3A_517 : vector<16xf32>
          %exp3A_521 = math.exp %neg3A_520 : vector<16xf32>
          %mul3A_522 = arith.constant 0.105843775 : f32
          %mul3A_523 = vector.broadcast %mul3A_522 : f32 to vector<16xf32>
          %mul3A_524 = arith.mulf %mul3A_523, %exp3A_521 : vector<16xf32>
          %add3A_525 = arith.constant -0.394195616 : f32
          %add3A_526 = vector.broadcast %add3A_525 : f32 to vector<16xf32>
          %add3A_527 = arith.addf %mul3A_524, %add3A_526 : vector<16xf32>
          %mul3A_528 = arith.mulf %add3A_527, %exp3A_521 : vector<16xf32>
          %add3A_529 = arith.constant 9.812560e-01 : f32
          %add3A_530 = vector.broadcast %add3A_529 : f32 to vector<16xf32>
          %add3A_531 = arith.addf %mul3A_528, %add3A_530 : vector<16xf32>
          %mul3A_532 = arith.mulf %add3A_531, %exp3A_521 : vector<16xf32>
          %add3A_533 = arith.constant 5.72167221E-4 : f32
          %add3A_534 = vector.broadcast %add3A_533 : f32 to vector<16xf32>
          %add3A_535 = arith.addf %mul3A_532, %add3A_534 : vector<16xf32>
          %mul3A_536 = arith.constant 0.323232323 : f32
          %mul3A_537 = vector.broadcast %mul3A_536 : f32 to vector<16xf32>
          %mul3A_538 = arith.mulf %mul3A_537, %exp3A_521 : vector<16xf32>
          %add3A_539 = arith.constant -0.808080792 : f32
          %add3A_540 = vector.broadcast %add3A_539 : f32 to vector<16xf32>
          %add3A_541 = arith.addf %mul3A_538, %add3A_540 : vector<16xf32>
          %mul3A_542 = arith.mulf %add3A_541, %exp3A_521 : vector<16xf32>
          %add3A_543 = arith.constant 0.989898979 : f32
          %add3A_544 = vector.broadcast %add3A_543 : f32 to vector<16xf32>
          %add3A_545 = arith.addf %mul3A_542, %add3A_544 : vector<16xf32>
          %gt3A_546 = arith.constant 0.000000e+00 : f32
          %gt3A_547 = vector.broadcast %gt3A_546 : f32 to vector<16xf32>
          %gt3A_548 = arith.cmpf ogt, %get3A_509, %gt3A_547 : vector<16xf32>
          %sub3A_549 = arith.constant 1.000000e+00 : f32
          %sub3A_550 = vector.broadcast %sub3A_549 : f32 to vector<16xf32>
          %sub3A_551 = arith.subf %sub3A_550, %add3A_545 : vector<16xf32>
          %select_n3A_552 = arith.select %gt3A_548, %add3A_545, %sub3A_551 : vector<16xi1>, vector<16xf32>
          %jit3A_553 = arith.constant 0.000000e+00 : f32
          %broadcast_in_dim3A_554 = vector.broadcast %jit3A_553 : f32 to vector<16xf32>
          %select_n3A_555 = arith.select %gt3A_548, %get3A_509, %broadcast_in_dim3A_554 : vector<16xi1>, vector<16xf32>
          %add3A_556 = arith.addf %select_n3A_555, %add3A_535 : vector<16xf32>
          %add3A_557 = arith.addf %add3A_496, %get3A_516 : vector<16xf32>
          %mul3A_558 = arith.mulf %get3A_516, %add3A_556 : vector<16xf32>
          %add3A_559 = arith.addf %add3A_498, %mul3A_558 : vector<16xf32>
          %mul3A_560 = arith.mulf %get3A_516, %select_n3A_552 : vector<16xf32>
          %add3A_561 = arith.addf %add3A_500, %mul3A_560 : vector<16xf32>
          %scan3A_562 = arith.constant 7 : i32
          %scan3A_563 = arith.addi %scan3A_137, %scan3A_562 : i32
          %mul3A_564 = arith.constant 16 : i32
          %mul3A_565 = arith.muli %scan3A_563, %mul3A_564 : i32
          %get3A_566 = arith.index_cast %rem3A_84 : i32 to index
          %get3A_567 = arith.index_cast %scan3A_127 : i32 to index
          %get3A_568 = arith.index_cast %mul3A_565 : i32 to index
          %get3A_569 = tpu.vector_load %arg5[%get3A_566, %get3A_567, %get3A_568] {strides = array<i32>} : memref<2x8x512xf32, #tpu.memory_space<vmem>>, vector<1x1x16xf32>,
          %get3A_570 = vector.shape_cast %get3A_569 : vector<1x1x16xf32> to vector<16xf32>
          %mul3A_571 = arith.constant 16 : i32
          %mul3A_572 = arith.muli %scan3A_563, %mul3A_571 : i32
          %get3A_573 = arith.index_cast %rem3A_84 : i32 to index
          %get3A_574 = arith.index_cast %scan3A_127 : i32 to index
          %get3A_575 = arith.index_cast %mul3A_572 : i32 to index
          %get3A_576 = tpu.vector_load %arg6[%get3A_573, %get3A_574, %get3A_575] {strides = array<i32>} : memref<2x8x512xf32, #tpu.memory_space<vmem>>, vector<1x1x16xf32>,
          %get3A_577 = vector.shape_cast %get3A_576 : vector<1x1x16xf32> to vector<16xf32>
          %abs3A_578 = math.absf %get3A_570 : vector<16xf32>
          %neg3A_579 = arith.constant 0.000000e+00 : f32
          %neg3A_580 = vector.broadcast %neg3A_579 : f32 to vector<16xf32>
          %neg3A_581 = arith.subf %neg3A_580, %abs3A_578 : vector<16xf32>
          %exp3A_582 = math.exp %neg3A_581 : vector<16xf32>
          %mul3A_583 = arith.constant 0.105843775 : f32
          %mul3A_584 = vector.broadcast %mul3A_583 : f32 to vector<16xf32>
          %mul3A_585 = arith.mulf %mul3A_584, %exp3A_582 : vector<16xf32>
          %add3A_586 = arith.constant -0.394195616 : f32
          %add3A_587 = vector.broadcast %add3A_586 : f32 to vector<16xf32>
          %add3A_588 = arith.addf %mul3A_585, %add3A_587 : vector<16xf32>
          %mul3A_589 = arith.mulf %add3A_588, %exp3A_582 : vector<16xf32>
          %add3A_590 = arith.constant 9.812560e-01 : f32
          %add3A_591 = vector.broadcast %add3A_590 : f32 to vector<16xf32>
          %add3A_592 = arith.addf %mul3A_589, %add3A_591 : vector<16xf32>
          %mul3A_593 = arith.mulf %add3A_592, %exp3A_582 : vector<16xf32>
          %add3A_594 = arith.constant 5.72167221E-4 : f32
          %add3A_595 = vector.broadcast %add3A_594 : f32 to vector<16xf32>
          %add3A_596 = arith.addf %mul3A_593, %add3A_595 : vector<16xf32>
          %mul3A_597 = arith.constant 0.323232323 : f32
          %mul3A_598 = vector.broadcast %mul3A_597 : f32 to vector<16xf32>
          %mul3A_599 = arith.mulf %mul3A_598, %exp3A_582 : vector<16xf32>
          %add3A_600 = arith.constant -0.808080792 : f32
          %add3A_601 = vector.broadcast %add3A_600 : f32 to vector<16xf32>
          %add3A_602 = arith.addf %mul3A_599, %add3A_601 : vector<16xf32>
          %mul3A_603 = arith.mulf %add3A_602, %exp3A_582 : vector<16xf32>
          %add3A_604 = arith.constant 0.989898979 : f32
          %add3A_605 = vector.broadcast %add3A_604 : f32 to vector<16xf32>
          %add3A_606 = arith.addf %mul3A_603, %add3A_605 : vector<16xf32>
          %gt3A_607 = arith.constant 0.000000e+00 : f32
          %gt3A_608 = vector.broadcast %gt3A_607 : f32 to vector<16xf32>
          %gt3A_609 = arith.cmpf ogt, %get3A_570, %gt3A_608 : vector<16xf32>
          %sub3A_610 = arith.constant 1.000000e+00 : f32
          %sub3A_611 = vector.broadcast %sub3A_610 : f32 to vector<16xf32>
          %sub3A_612 = arith.subf %sub3A_611, %add3A_606 : vector<16xf32>
          %select_n3A_613 = arith.select %gt3A_609, %add3A_606, %sub3A_612 : vector<16xi1>, vector<16xf32>
          %jit3A_614 = arith.constant 0.000000e+00 : f32
          %broadcast_in_dim3A_615 = vector.broadcast %jit3A_614 : f32 to vector<16xf32>
          %select_n3A_616 = arith.select %gt3A_609, %get3A_570, %broadcast_in_dim3A_615 : vector<16xi1>, vector<16xf32>
          %add3A_617 = arith.addf %select_n3A_616, %add3A_596 : vector<16xf32>
          %add3A_618 = arith.addf %add3A_557, %get3A_577 : vector<16xf32>
          %mul3A_619 = arith.mulf %get3A_577, %add3A_617 : vector<16xf32>
          %add3A_620 = arith.addf %add3A_559, %mul3A_619 : vector<16xf32>
          %mul3A_621 = arith.mulf %get3A_577, %select_n3A_613 : vector<16xf32>
          %add3A_622 = arith.addf %add3A_561, %mul3A_621 : vector<16xf32>
          scf.yield %add3A_618, %add3A_620, %add3A_622 : vector<16xf32>, vector<16xf32>, vector<16xf32>
        }
        %scan3A_136 = arith.constant 32 : i32
        scf.yield %scan3A_135#0, %scan3A_135#1, %scan3A_135#2 : vector<16xf32>, vector<16xf32>, vector<16xf32>
      }
      %scan3A_126 = arith.constant 8 : i32
      scf.yield %scan3A_125#0, %scan3A_125#1, %scan3A_125#2 : vector<16xf32>, vector<16xf32>, vector<16xf32>
    }
    %while3A_34 = arith.constant 1 : i32
    %while3A_35:3 = scf.for %while3A_79 = %while3A_31 to %while3A_27 step %while3A_34 iter_args(%while3A_80 = %while3A_33#0, %while3A_81 = %while3A_33#1, %while3A_82 = %while3A_33#2) -> (vector<16xf32>, vector<16xf32>, vector<16xf32>)  : i32 {
      %rem3A_83 = arith.constant 2 : i32
      %rem3A_84 = arith.remsi %while3A_79, %rem3A_83 : i32
      %add3A_85 = arith.constant 1 : i32
      %add3A_86 = arith.addi %while3A_79, %add3A_85 : i32
      %lt3A = arith.cmpi slt, %add3A_86, %select_n3A : i32
      %convert_element_type3A_87 = arith.extui %lt3A : i1 to i32
      %cond3A_88 = arith.constant 0 : i32
      %cond3A_89 = arith.cmpi ne, %convert_element_type3A_87, %cond3A_88 : i32
      scf.if %cond3A_89 {
        %add3A_127 = arith.constant 1 : i32
        %add3A_128 = arith.addi %while3A_79, %add3A_127 : i32
        %sub3A_129 = arith.constant 1 : i32
        %sub3A_130 = arith.subi %sub3A_129, %rem3A_84 : i32
        %mul3A_131 = arith.constant 32 : i32
        %mul3A_132 = arith.muli %add3A_128, %mul3A_131 : i32
        %add3A_133 = arith.addi %add3A, %mul3A_132 : i32
        %mul3A_134 = arith.constant 512 : i32
        %mul3A_135 = arith.muli %add3A_133, %mul3A_134 : i32
        %dma_start3A = arith.constant 0 : i32
        %dma_start3A_136 = arith.constant 0 : i32
        %dma_start3A_137 = tpu.memref_slice %arg5[%sub3A_130, %dma_start3A, %dma_start3A_136] : memref<2x8x512xf32, #tpu.memory_space<vmem>> -> memref<1x8x512xf32, #tpu.memory_space<vmem>>
        %dma_start3A_138 = tpu.memref_squeeze %dma_start3A_137 : memref<1x8x512xf32, #tpu.memory_space<vmem>> -> memref<8x512xf32, #tpu.memory_space<vmem>>
        %dma_start3A_139 = arith.constant 56 : i32
        %dma_start3A_140 = tpu.memref_slice %arg2[%dma_start3A_139, %mul3A_135] : memref<64x200000xf32, #tpu.memory_space<hbm>> -> memref<8x512xf32, #tpu.memory_space<hbm>>
        %dma_start3A_141 = tpu.memref_slice %arg8[%sub3A_130] : memref<2x!tpu.dma_semaphore, #tpu.memory_space<semaphore_mem>> -> memref<1x!tpu.dma_semaphore, #tpu.memory_space<semaphore_mem>>
        %dma_start3A_142 = tpu.memref_squeeze %dma_start3A_141 : memref<1x!tpu.dma_semaphore, #tpu.memory_space<semaphore_mem>> -> memref<!tpu.dma_semaphore, #tpu.memory_space<semaphore_mem>>
        %dma_start3A_143 = arith.constant 0 : i32
        %dma_start3A_144 = arith.constant 0 : i32
        %dma_start3A_145 = tpu.memref_slice %arg5[%sub3A_130, %dma_start3A_143, %dma_start3A_144] : memref<2x8x512xf32, #tpu.memory_space<vmem>> -> memref<1x8x512xf32, #tpu.memory_space<vmem>>
        %dma_start3A_146 = tpu.memref_squeeze %dma_start3A_145 : memref<1x8x512xf32, #tpu.memory_space<vmem>> -> memref<8x512xf32, #tpu.memory_space<vmem>>
        %dma_start3A_147 = arith.constant 56 : i32
        %dma_start3A_148 = tpu.memref_slice %arg2[%dma_start3A_147, %mul3A_135] : memref<64x200000xf32, #tpu.memory_space<hbm>> -> memref<8x512xf32, #tpu.memory_space<hbm>>
        tpu.enqueue_dma source(%dma_start3A_148 : memref<8x512xf32, #tpu.memory_space<hbm>>) target(%dma_start3A_146 : memref<8x512xf32, #tpu.memory_space<vmem>>) target_semaphore(%dma_start3A_142 : memref<!tpu.dma_semaphore, #tpu.memory_space<semaphore_mem>>)
        %dma_start3A_149 = arith.constant 0 : i32
        %dma_start3A_150 = arith.constant 0 : i32
        %dma_start3A_151 = tpu.memref_slice %arg6[%sub3A_130, %dma_start3A_149, %dma_start3A_150] : memref<2x8x512xf32, #tpu.memory_space<vmem>> -> memref<1x8x512xf32, #tpu.memory_space<vmem>>
        %dma_start3A_152 = tpu.memref_squeeze %dma_start3A_151 : memref<1x8x512xf32, #tpu.memory_space<vmem>> -> memref<8x512xf32, #tpu.memory_space<vmem>>
        %dma_start3A_153 = arith.constant 56 : i32
        %dma_start3A_154 = tpu.memref_slice %arg3[%dma_start3A_153, %mul3A_135] : memref<64x200000xf32, #tpu.memory_space<hbm>> -> memref<8x512xf32, #tpu.memory_space<hbm>>
        %dma_start3A_155 = tpu.memref_slice %arg8[%sub3A_130] : memref<2x!tpu.dma_semaphore, #tpu.memory_space<semaphore_mem>> -> memref<1x!tpu.dma_semaphore, #tpu.memory_space<semaphore_mem>>
        %dma_start3A_156 = tpu.memref_squeeze %dma_start3A_155 : memref<1x!tpu.dma_semaphore, #tpu.memory_space<semaphore_mem>> -> memref<!tpu.dma_semaphore, #tpu.memory_space<semaphore_mem>>
        %dma_start3A_157 = arith.constant 0 : i32
        %dma_start3A_158 = arith.constant 0 : i32
        %dma_start3A_159 = tpu.memref_slice %arg6[%sub3A_130, %dma_start3A_157, %dma_start3A_158] : memref<2x8x512xf32, #tpu.memory_space<vmem>> -> memref<1x8x512xf32, #tpu.memory_space<vmem>>
        %dma_start3A_160 = tpu.memref_squeeze %dma_start3A_159 : memref<1x8x512xf32, #tpu.memory_space<vmem>> -> memref<8x512xf32, #tpu.memory_space<vmem>>
        %dma_start3A_161 = arith.constant 56 : i32
        %dma_start3A_162 = tpu.memref_slice %arg3[%dma_start3A_161, %mul3A_135] : memref<64x200000xf32, #tpu.memory_space<hbm>> -> memref<8x512xf32, #tpu.memory_space<hbm>>
        tpu.enqueue_dma source(%dma_start3A_162 : memref<8x512xf32, #tpu.memory_space<hbm>>) target(%dma_start3A_160 : memref<8x512xf32, #tpu.memory_space<vmem>>) target_semaphore(%dma_start3A_156 : memref<!tpu.dma_semaphore, #tpu.memory_space<semaphore_mem>>)
      } else {
      }
      %mul3A_90 = arith.constant 32 : i32
      %mul3A_91 = arith.muli %while3A_79, %mul3A_90 : i32
      %add3A_92 = arith.addi %add3A, %mul3A_91 : i32
      %mul3A_93 = arith.constant 512 : i32
      %mul3A_94 = arith.muli %add3A_92, %mul3A_93 : i32
      %dma_wait3A = arith.constant 0 : i32
      %dma_wait3A_95 = arith.constant 0 : i32
      %dma_wait3A_96 = tpu.memref_slice %arg5[%rem3A_84, %dma_wait3A, %dma_wait3A_95] : memref<2x8x512xf32, #tpu.memory_space<vmem>> -> memref<1x8x512xf32, #tpu.memory_space<vmem>>
      %dma_wait3A_97 = tpu.memref_squeeze %dma_wait3A_96 : memref<1x8x512xf32, #tpu.memory_space<vmem>> -> memref<8x512xf32, #tpu.memory_space<vmem>>
      %dma_wait3A_98 = arith.constant 56 : i32
      %dma_wait3A_99 = tpu.memref_slice %arg2[%dma_wait3A_98, %mul3A_94] : memref<64x200000xf32, #tpu.memory_space<hbm>> -> memref<8x512xf32, #tpu.memory_space<hbm>>
      %dma_wait3A_100 = tpu.memref_slice %arg8[%rem3A_84] : memref<2x!tpu.dma_semaphore, #tpu.memory_space<semaphore_mem>> -> memref<1x!tpu.dma_semaphore, #tpu.memory_space<semaphore_mem>>
      %dma_wait3A_101 = tpu.memref_squeeze %dma_wait3A_100 : memref<1x!tpu.dma_semaphore, #tpu.memory_space<semaphore_mem>> -> memref<!tpu.dma_semaphore, #tpu.memory_space<semaphore_mem>>
      %dma_wait3A_102 = arith.constant 0 : i32
      %dma_wait3A_103 = arith.constant 0 : i32
      %dma_wait3A_104 = tpu.memref_slice %arg5[%rem3A_84, %dma_wait3A_102, %dma_wait3A_103] : memref<2x8x512xf32, #tpu.memory_space<vmem>> -> memref<1x8x512xf32, #tpu.memory_space<vmem>>
      %dma_wait3A_105 = tpu.memref_squeeze %dma_wait3A_104 : memref<1x8x512xf32, #tpu.memory_space<vmem>> -> memref<8x512xf32, #tpu.memory_space<vmem>>
      %dma_wait3A_106 = arith.constant 56 : i32
      %dma_wait3A_107 = tpu.memref_slice %arg2[%dma_wait3A_106, %mul3A_94] : memref<64x200000xf32, #tpu.memory_space<hbm>> -> memref<8x512xf32, #tpu.memory_space<hbm>>
      tpu.wait_dma2 semaphore(%dma_wait3A_101 : memref<!tpu.dma_semaphore, #tpu.memory_space<semaphore_mem>>) src(%dma_wait3A_107 : memref<8x512xf32, #tpu.memory_space<hbm>>) dst(%dma_wait3A_105 : memref<8x512xf32, #tpu.memory_space<vmem>>)
      %dma_wait3A_108 = arith.constant 0 : i32
      %dma_wait3A_109 = arith.constant 0 : i32
      %dma_wait3A_110 = tpu.memref_slice %arg6[%rem3A_84, %dma_wait3A_108, %dma_wait3A_109] : memref<2x8x512xf32, #tpu.memory_space<vmem>> -> memref<1x8x512xf32, #tpu.memory_space<vmem>>
      %dma_wait3A_111 = tpu.memref_squeeze %dma_wait3A_110 : memref<1x8x512xf32, #tpu.memory_space<vmem>> -> memref<8x512xf32, #tpu.memory_space<vmem>>
      %dma_wait3A_112 = arith.constant 56 : i32
      %dma_wait3A_113 = tpu.memref_slice %arg3[%dma_wait3A_112, %mul3A_94] : memref<64x200000xf32, #tpu.memory_space<hbm>> -> memref<8x512xf32, #tpu.memory_space<hbm>>
      %dma_wait3A_114 = tpu.memref_slice %arg8[%rem3A_84] : memref<2x!tpu.dma_semaphore, #tpu.memory_space<semaphore_mem>> -> memref<1x!tpu.dma_semaphore, #tpu.memory_space<semaphore_mem>>
      %dma_wait3A_115 = tpu.memref_squeeze %dma_wait3A_114 : memref<1x!tpu.dma_semaphore, #tpu.memory_space<semaphore_mem>> -> memref<!tpu.dma_semaphore, #tpu.memory_space<semaphore_mem>>
      %dma_wait3A_116 = arith.constant 0 : i32
      %dma_wait3A_117 = arith.constant 0 : i32
      %dma_wait3A_118 = tpu.memref_slice %arg6[%rem3A_84, %dma_wait3A_116, %dma_wait3A_117] : memref<2x8x512xf32, #tpu.memory_space<vmem>> -> memref<1x8x512xf32, #tpu.memory_space<vmem>>
      %dma_wait3A_119 = tpu.memref_squeeze %dma_wait3A_118 : memref<1x8x512xf32, #tpu.memory_space<vmem>> -> memref<8x512xf32, #tpu.memory_space<vmem>>
      %dma_wait3A_120 = arith.constant 56 : i32
      %dma_wait3A_121 = tpu.memref_slice %arg3[%dma_wait3A_120, %mul3A_94] : memref<64x200000xf32, #tpu.memory_space<hbm>> -> memref<8x512xf32, #tpu.memory_space<hbm>>
      tpu.wait_dma2 semaphore(%dma_wait3A_115 : memref<!tpu.dma_semaphore, #tpu.memory_space<semaphore_mem>>) src(%dma_wait3A_121 : memref<8x512xf32, #tpu.memory_space<hbm>>) dst(%dma_wait3A_119 : memref<8x512xf32, #tpu.memory_space<vmem>>)
      %scan3A = arith.constant 0 : i32
      %scan3A_122 = arith.constant 8 : i32
      %scan3A_123 = arith.addi %scan3A, %scan3A_122 : i32
      %scan3A_124 = arith.constant 1 : i32
      %scan3A_125:3 = scf.for %scan3A_127 = %scan3A to %scan3A_123 step %scan3A_124 iter_args(%scan3A_128 = %while3A_80, %scan3A_129 = %while3A_81, %scan3A_130 = %while3A_82) -> (vector<16xf32>, vector<16xf32>, vector<16xf32>)  : i32 {
        %scan3A_131 = arith.constant 0 : i32
        %scan3A_132 = arith.constant 32 : i32
        %scan3A_133 = arith.addi %scan3A_131, %scan3A_132 : i32
        %scan3A_134 = arith.constant 8 : i32
        %scan3A_135:3 = scf.for %scan3A_137 = %scan3A_131 to %scan3A_133 step %scan3A_134 iter_args(%scan3A_138 = %scan3A_128, %scan3A_139 = %scan3A_129, %scan3A_140 = %scan3A_130) -> (vector<16xf32>, vector<16xf32>, vector<16xf32>)  : i32 {
          %mul3A_141 = arith.constant 16 : i32
          %mul3A_142 = arith.muli %scan3A_137, %mul3A_141 : i32
          %get3A = arith.index_cast %rem3A_84 : i32 to index
          %get3A_143 = arith.index_cast %scan3A_127 : i32 to index
          %get3A_144 = arith.index_cast %mul3A_142 : i32 to index
          %get3A_145 = tpu.vector_load %arg5[%get3A, %get3A_143, %get3A_144] {strides = array<i32>} : memref<2x8x512xf32, #tpu.memory_space<vmem>>, vector<1x1x16xf32>,
          %get3A_146 = vector.shape_cast %get3A_145 : vector<1x1x16xf32> to vector<16xf32>
          %mul3A_147 = arith.constant 16 : i32
          %mul3A_148 = arith.muli %scan3A_137, %mul3A_147 : i32
          %get3A_149 = arith.index_cast %rem3A_84 : i32 to index
          %get3A_150 = arith.index_cast %scan3A_127 : i32 to index
          %get3A_151 = arith.index_cast %mul3A_148 : i32 to index
          %get3A_152 = tpu.vector_load %arg6[%get3A_149, %get3A_150, %get3A_151] {strides = array<i32>} : memref<2x8x512xf32, #tpu.memory_space<vmem>>, vector<1x1x16xf32>,
          %get3A_153 = vector.shape_cast %get3A_152 : vector<1x1x16xf32> to vector<16xf32>
          %abs3A = math.absf %get3A_146 : vector<16xf32>
          %neg3A = arith.constant 0.000000e+00 : f32
          %neg3A_154 = vector.broadcast %neg3A : f32 to vector<16xf32>
          %neg3A_155 = arith.subf %neg3A_154, %abs3A : vector<16xf32>
          %exp3A = math.exp %neg3A_155 : vector<16xf32>
          %mul3A_156 = arith.constant 0.105843775 : f32
          %mul3A_157 = vector.broadcast %mul3A_156 : f32 to vector<16xf32>
          %mul3A_158 = arith.mulf %mul3A_157, %exp3A : vector<16xf32>
          %add3A_159 = arith.constant -0.394195616 : f32
          %add3A_160 = vector.broadcast %add3A_159 : f32 to vector<16xf32>
          %add3A_161 = arith.addf %mul3A_158, %add3A_160 : vector<16xf32>
          %mul3A_162 = arith.mulf %add3A_161, %exp3A : vector<16xf32>
          %add3A_163 = arith.constant 9.812560e-01 : f32
          %add3A_164 = vector.broadcast %add3A_163 : f32 to vector<16xf32>
          %add3A_165 = arith.addf %mul3A_162, %add3A_164 : vector<16xf32>
          %mul3A_166 = arith.mulf %add3A_165, %exp3A : vector<16xf32>
          %add3A_167 = arith.constant 5.72167221E-4 : f32
          %add3A_168 = vector.broadcast %add3A_167 : f32 to vector<16xf32>
          %add3A_169 = arith.addf %mul3A_166, %add3A_168 : vector<16xf32>
          %mul3A_170 = arith.constant 0.323232323 : f32
          %mul3A_171 = vector.broadcast %mul3A_170 : f32 to vector<16xf32>
          %mul3A_172 = arith.mulf %mul3A_171, %exp3A : vector<16xf32>
          %add3A_173 = arith.constant -0.808080792 : f32
          %add3A_174 = vector.broadcast %add3A_173 : f32 to vector<16xf32>
          %add3A_175 = arith.addf %mul3A_172, %add3A_174 : vector<16xf32>
          %mul3A_176 = arith.mulf %add3A_175, %exp3A : vector<16xf32>
          %add3A_177 = arith.constant 0.989898979 : f32
          %add3A_178 = vector.broadcast %add3A_177 : f32 to vector<16xf32>
          %add3A_179 = arith.addf %mul3A_176, %add3A_178 : vector<16xf32>
          %gt3A_180 = arith.constant 0.000000e+00 : f32
          %gt3A_181 = vector.broadcast %gt3A_180 : f32 to vector<16xf32>
          %gt3A_182 = arith.cmpf ogt, %get3A_146, %gt3A_181 : vector<16xf32>
          %sub3A_183 = arith.constant 1.000000e+00 : f32
          %sub3A_184 = vector.broadcast %sub3A_183 : f32 to vector<16xf32>
          %sub3A_185 = arith.subf %sub3A_184, %add3A_179 : vector<16xf32>
          %select_n3A_186 = arith.select %gt3A_182, %add3A_179, %sub3A_185 : vector<16xi1>, vector<16xf32>
          %jit3A_187 = arith.constant 0.000000e+00 : f32
          %broadcast_in_dim3A_188 = vector.broadcast %jit3A_187 : f32 to vector<16xf32>
          %select_n3A_189 = arith.select %gt3A_182, %get3A_146, %broadcast_in_dim3A_188 : vector<16xi1>, vector<16xf32>
          %add3A_190 = arith.addf %select_n3A_189, %add3A_169 : vector<16xf32>
          %add3A_191 = arith.addf %scan3A_138, %get3A_153 : vector<16xf32>
          %mul3A_192 = arith.mulf %get3A_153, %add3A_190 : vector<16xf32>
          %add3A_193 = arith.addf %scan3A_139, %mul3A_192 : vector<16xf32>
          %mul3A_194 = arith.mulf %get3A_153, %select_n3A_186 : vector<16xf32>
          %add3A_195 = arith.addf %scan3A_140, %mul3A_194 : vector<16xf32>
          %scan3A_196 = arith.constant 1 : i32
          %scan3A_197 = arith.addi %scan3A_137, %scan3A_196 : i32
          %mul3A_198 = arith.constant 16 : i32
          %mul3A_199 = arith.muli %scan3A_197, %mul3A_198 : i32
          %get3A_200 = arith.index_cast %rem3A_84 : i32 to index
          %get3A_201 = arith.index_cast %scan3A_127 : i32 to index
          %get3A_202 = arith.index_cast %mul3A_199 : i32 to index
          %get3A_203 = tpu.vector_load %arg5[%get3A_200, %get3A_201, %get3A_202] {strides = array<i32>} : memref<2x8x512xf32, #tpu.memory_space<vmem>>, vector<1x1x16xf32>,
          %get3A_204 = vector.shape_cast %get3A_203 : vector<1x1x16xf32> to vector<16xf32>
          %mul3A_205 = arith.constant 16 : i32
          %mul3A_206 = arith.muli %scan3A_197, %mul3A_205 : i32
          %get3A_207 = arith.index_cast %rem3A_84 : i32 to index
          %get3A_208 = arith.index_cast %scan3A_127 : i32 to index
          %get3A_209 = arith.index_cast %mul3A_206 : i32 to index
          %get3A_210 = tpu.vector_load %arg6[%get3A_207, %get3A_208, %get3A_209] {strides = array<i32>} : memref<2x8x512xf32, #tpu.memory_space<vmem>>, vector<1x1x16xf32>,
          %get3A_211 = vector.shape_cast %get3A_210 : vector<1x1x16xf32> to vector<16xf32>
          %abs3A_212 = math.absf %get3A_204 : vector<16xf32>
          %neg3A_213 = arith.constant 0.000000e+00 : f32
          %neg3A_214 = vector.broadcast %neg3A_213 : f32 to vector<16xf32>
          %neg3A_215 = arith.subf %neg3A_214, %abs3A_212 : vector<16xf32>
          %exp3A_216 = math.exp %neg3A_215 : vector<16xf32>
          %mul3A_217 = arith.constant 0.105843775 : f32
          %mul3A_218 = vector.broadcast %mul3A_217 : f32 to vector<16xf32>
          %mul3A_219 = arith.mulf %mul3A_218, %exp3A_216 : vector<16xf32>
          %add3A_220 = arith.constant -0.394195616 : f32
          %add3A_221 = vector.broadcast %add3A_220 : f32 to vector<16xf32>
          %add3A_222 = arith.addf %mul3A_219, %add3A_221 : vector<16xf32>
          %mul3A_223 = arith.mulf %add3A_222, %exp3A_216 : vector<16xf32>
          %add3A_224 = arith.constant 9.812560e-01 : f32
          %add3A_225 = vector.broadcast %add3A_224 : f32 to vector<16xf32>
          %add3A_226 = arith.addf %mul3A_223, %add3A_225 : vector<16xf32>
          %mul3A_227 = arith.mulf %add3A_226, %exp3A_216 : vector<16xf32>
          %add3A_228 = arith.constant 5.72167221E-4 : f32
          %add3A_229 = vector.broadcast %add3A_228 : f32 to vector<16xf32>
          %add3A_230 = arith.addf %mul3A_227, %add3A_229 : vector<16xf32>
          %mul3A_231 = arith.constant 0.323232323 : f32
          %mul3A_232 = vector.broadcast %mul3A_231 : f32 to vector<16xf32>
          %mul3A_233 = arith.mulf %mul3A_232, %exp3A_216 : vector<16xf32>
          %add3A_234 = arith.constant -0.808080792 : f32
          %add3A_235 = vector.broadcast %add3A_234 : f32 to vector<16xf32>
          %add3A_236 = arith.addf %mul3A_233, %add3A_235 : vector<16xf32>
          %mul3A_237 = arith.mulf %add3A_236, %exp3A_216 : vector<16xf32>
          %add3A_238 = arith.constant 0.989898979 : f32
          %add3A_239 = vector.broadcast %add3A_238 : f32 to vector<16xf32>
          %add3A_240 = arith.addf %mul3A_237, %add3A_239 : vector<16xf32>
          %gt3A_241 = arith.constant 0.000000e+00 : f32
          %gt3A_242 = vector.broadcast %gt3A_241 : f32 to vector<16xf32>
          %gt3A_243 = arith.cmpf ogt, %get3A_204, %gt3A_242 : vector<16xf32>
          %sub3A_244 = arith.constant 1.000000e+00 : f32
          %sub3A_245 = vector.broadcast %sub3A_244 : f32 to vector<16xf32>
          %sub3A_246 = arith.subf %sub3A_245, %add3A_240 : vector<16xf32>
          %select_n3A_247 = arith.select %gt3A_243, %add3A_240, %sub3A_246 : vector<16xi1>, vector<16xf32>
          %jit3A_248 = arith.constant 0.000000e+00 : f32
          %broadcast_in_dim3A_249 = vector.broadcast %jit3A_248 : f32 to vector<16xf32>
          %select_n3A_250 = arith.select %gt3A_243, %get3A_204, %broadcast_in_dim3A_249 : vector<16xi1>, vector<16xf32>
          %add3A_251 = arith.addf %select_n3A_250, %add3A_230 : vector<16xf32>
          %add3A_252 = arith.addf %add3A_191, %get3A_211 : vector<16xf32>
          %mul3A_253 = arith.mulf %get3A_211, %add3A_251 : vector<16xf32>
          %add3A_254 = arith.addf %add3A_193, %mul3A_253 : vector<16xf32>
          %mul3A_255 = arith.mulf %get3A_211, %select_n3A_247 : vector<16xf32>
          %add3A_256 = arith.addf %add3A_195, %mul3A_255 : vector<16xf32>
          %scan3A_257 = arith.constant 2 : i32
          %scan3A_258 = arith.addi %scan3A_137, %scan3A_257 : i32
          %mul3A_259 = arith.constant 16 : i32
          %mul3A_260 = arith.muli %scan3A_258, %mul3A_259 : i32
          %get3A_261 = arith.index_cast %rem3A_84 : i32 to index
          %get3A_262 = arith.index_cast %scan3A_127 : i32 to index
          %get3A_263 = arith.index_cast %mul3A_260 : i32 to index
          %get3A_264 = tpu.vector_load %arg5[%get3A_261, %get3A_262, %get3A_263] {strides = array<i32>} : memref<2x8x512xf32, #tpu.memory_space<vmem>>, vector<1x1x16xf32>,
          %get3A_265 = vector.shape_cast %get3A_264 : vector<1x1x16xf32> to vector<16xf32>
          %mul3A_266 = arith.constant 16 : i32
          %mul3A_267 = arith.muli %scan3A_258, %mul3A_266 : i32
          %get3A_268 = arith.index_cast %rem3A_84 : i32 to index
          %get3A_269 = arith.index_cast %scan3A_127 : i32 to index
          %get3A_270 = arith.index_cast %mul3A_267 : i32 to index
          %get3A_271 = tpu.vector_load %arg6[%get3A_268, %get3A_269, %get3A_270] {strides = array<i32>} : memref<2x8x512xf32, #tpu.memory_space<vmem>>, vector<1x1x16xf32>,
          %get3A_272 = vector.shape_cast %get3A_271 : vector<1x1x16xf32> to vector<16xf32>
          %abs3A_273 = math.absf %get3A_265 : vector<16xf32>
          %neg3A_274 = arith.constant 0.000000e+00 : f32
          %neg3A_275 = vector.broadcast %neg3A_274 : f32 to vector<16xf32>
          %neg3A_276 = arith.subf %neg3A_275, %abs3A_273 : vector<16xf32>
          %exp3A_277 = math.exp %neg3A_276 : vector<16xf32>
          %mul3A_278 = arith.constant 0.105843775 : f32
          %mul3A_279 = vector.broadcast %mul3A_278 : f32 to vector<16xf32>
          %mul3A_280 = arith.mulf %mul3A_279, %exp3A_277 : vector<16xf32>
          %add3A_281 = arith.constant -0.394195616 : f32
          %add3A_282 = vector.broadcast %add3A_281 : f32 to vector<16xf32>
          %add3A_283 = arith.addf %mul3A_280, %add3A_282 : vector<16xf32>
          %mul3A_284 = arith.mulf %add3A_283, %exp3A_277 : vector<16xf32>
          %add3A_285 = arith.constant 9.812560e-01 : f32
          %add3A_286 = vector.broadcast %add3A_285 : f32 to vector<16xf32>
          %add3A_287 = arith.addf %mul3A_284, %add3A_286 : vector<16xf32>
          %mul3A_288 = arith.mulf %add3A_287, %exp3A_277 : vector<16xf32>
          %add3A_289 = arith.constant 5.72167221E-4 : f32
          %add3A_290 = vector.broadcast %add3A_289 : f32 to vector<16xf32>
          %add3A_291 = arith.addf %mul3A_288, %add3A_290 : vector<16xf32>
          %mul3A_292 = arith.constant 0.323232323 : f32
          %mul3A_293 = vector.broadcast %mul3A_292 : f32 to vector<16xf32>
          %mul3A_294 = arith.mulf %mul3A_293, %exp3A_277 : vector<16xf32>
          %add3A_295 = arith.constant -0.808080792 : f32
          %add3A_296 = vector.broadcast %add3A_295 : f32 to vector<16xf32>
          %add3A_297 = arith.addf %mul3A_294, %add3A_296 : vector<16xf32>
          %mul3A_298 = arith.mulf %add3A_297, %exp3A_277 : vector<16xf32>
          %add3A_299 = arith.constant 0.989898979 : f32
          %add3A_300 = vector.broadcast %add3A_299 : f32 to vector<16xf32>
          %add3A_301 = arith.addf %mul3A_298, %add3A_300 : vector<16xf32>
          %gt3A_302 = arith.constant 0.000000e+00 : f32
          %gt3A_303 = vector.broadcast %gt3A_302 : f32 to vector<16xf32>
          %gt3A_304 = arith.cmpf ogt, %get3A_265, %gt3A_303 : vector<16xf32>
          %sub3A_305 = arith.constant 1.000000e+00 : f32
          %sub3A_306 = vector.broadcast %sub3A_305 : f32 to vector<16xf32>
          %sub3A_307 = arith.subf %sub3A_306, %add3A_301 : vector<16xf32>
          %select_n3A_308 = arith.select %gt3A_304, %add3A_301, %sub3A_307 : vector<16xi1>, vector<16xf32>
          %jit3A_309 = arith.constant 0.000000e+00 : f32
          %broadcast_in_dim3A_310 = vector.broadcast %jit3A_309 : f32 to vector<16xf32>
          %select_n3A_311 = arith.select %gt3A_304, %get3A_265, %broadcast_in_dim3A_310 : vector<16xi1>, vector<16xf32>
          %add3A_312 = arith.addf %select_n3A_311, %add3A_291 : vector<16xf32>
          %add3A_313 = arith.addf %add3A_252, %get3A_272 : vector<16xf32>
          %mul3A_314 = arith.mulf %get3A_272, %add3A_312 : vector<16xf32>
          %add3A_315 = arith.addf %add3A_254, %mul3A_314 : vector<16xf32>
          %mul3A_316 = arith.mulf %get3A_272, %select_n3A_308 : vector<16xf32>
          %add3A_317 = arith.addf %add3A_256, %mul3A_316 : vector<16xf32>
          %scan3A_318 = arith.constant 3 : i32
          %scan3A_319 = arith.addi %scan3A_137, %scan3A_318 : i32
          %mul3A_320 = arith.constant 16 : i32
          %mul3A_321 = arith.muli %scan3A_319, %mul3A_320 : i32
          %get3A_322 = arith.index_cast %rem3A_84 : i32 to index
          %get3A_323 = arith.index_cast %scan3A_127 : i32 to index
          %get3A_324 = arith.index_cast %mul3A_321 : i32 to index
          %get3A_325 = tpu.vector_load %arg5[%get3A_322, %get3A_323, %get3A_324] {strides = array<i32>} : memref<2x8x512xf32, #tpu.memory_space<vmem>>, vector<1x1x16xf32>,
          %get3A_326 = vector.shape_cast %get3A_325 : vector<1x1x16xf32> to vector<16xf32>
          %mul3A_327 = arith.constant 16 : i32
          %mul3A_328 = arith.muli %scan3A_319, %mul3A_327 : i32
          %get3A_329 = arith.index_cast %rem3A_84 : i32 to index
          %get3A_330 = arith.index_cast %scan3A_127 : i32 to index
          %get3A_331 = arith.index_cast %mul3A_328 : i32 to index
          %get3A_332 = tpu.vector_load %arg6[%get3A_329, %get3A_330, %get3A_331] {strides = array<i32>} : memref<2x8x512xf32, #tpu.memory_space<vmem>>, vector<1x1x16xf32>,
          %get3A_333 = vector.shape_cast %get3A_332 : vector<1x1x16xf32> to vector<16xf32>
          %abs3A_334 = math.absf %get3A_326 : vector<16xf32>
          %neg3A_335 = arith.constant 0.000000e+00 : f32
          %neg3A_336 = vector.broadcast %neg3A_335 : f32 to vector<16xf32>
          %neg3A_337 = arith.subf %neg3A_336, %abs3A_334 : vector<16xf32>
          %exp3A_338 = math.exp %neg3A_337 : vector<16xf32>
          %mul3A_339 = arith.constant 0.105843775 : f32
          %mul3A_340 = vector.broadcast %mul3A_339 : f32 to vector<16xf32>
          %mul3A_341 = arith.mulf %mul3A_340, %exp3A_338 : vector<16xf32>
          %add3A_342 = arith.constant -0.394195616 : f32
          %add3A_343 = vector.broadcast %add3A_342 : f32 to vector<16xf32>
          %add3A_344 = arith.addf %mul3A_341, %add3A_343 : vector<16xf32>
          %mul3A_345 = arith.mulf %add3A_344, %exp3A_338 : vector<16xf32>
          %add3A_346 = arith.constant 9.812560e-01 : f32
          %add3A_347 = vector.broadcast %add3A_346 : f32 to vector<16xf32>
          %add3A_348 = arith.addf %mul3A_345, %add3A_347 : vector<16xf32>
          %mul3A_349 = arith.mulf %add3A_348, %exp3A_338 : vector<16xf32>
          %add3A_350 = arith.constant 5.72167221E-4 : f32
          %add3A_351 = vector.broadcast %add3A_350 : f32 to vector<16xf32>
          %add3A_352 = arith.addf %mul3A_349, %add3A_351 : vector<16xf32>
          %mul3A_353 = arith.constant 0.323232323 : f32
          %mul3A_354 = vector.broadcast %mul3A_353 : f32 to vector<16xf32>
          %mul3A_355 = arith.mulf %mul3A_354, %exp3A_338 : vector<16xf32>
          %add3A_356 = arith.constant -0.808080792 : f32
          %add3A_357 = vector.broadcast %add3A_356 : f32 to vector<16xf32>
          %add3A_358 = arith.addf %mul3A_355, %add3A_357 : vector<16xf32>
          %mul3A_359 = arith.mulf %add3A_358, %exp3A_338 : vector<16xf32>
          %add3A_360 = arith.constant 0.989898979 : f32
          %add3A_361 = vector.broadcast %add3A_360 : f32 to vector<16xf32>
          %add3A_362 = arith.addf %mul3A_359, %add3A_361 : vector<16xf32>
          %gt3A_363 = arith.constant 0.000000e+00 : f32
          %gt3A_364 = vector.broadcast %gt3A_363 : f32 to vector<16xf32>
          %gt3A_365 = arith.cmpf ogt, %get3A_326, %gt3A_364 : vector<16xf32>
          %sub3A_366 = arith.constant 1.000000e+00 : f32
          %sub3A_367 = vector.broadcast %sub3A_366 : f32 to vector<16xf32>
          %sub3A_368 = arith.subf %sub3A_367, %add3A_362 : vector<16xf32>
          %select_n3A_369 = arith.select %gt3A_365, %add3A_362, %sub3A_368 : vector<16xi1>, vector<16xf32>
          %jit3A_370 = arith.constant 0.000000e+00 : f32
          %broadcast_in_dim3A_371 = vector.broadcast %jit3A_370 : f32 to vector<16xf32>
          %select_n3A_372 = arith.select %gt3A_365, %get3A_326, %broadcast_in_dim3A_371 : vector<16xi1>, vector<16xf32>
          %add3A_373 = arith.addf %select_n3A_372, %add3A_352 : vector<16xf32>
          %add3A_374 = arith.addf %add3A_313, %get3A_333 : vector<16xf32>
          %mul3A_375 = arith.mulf %get3A_333, %add3A_373 : vector<16xf32>
          %add3A_376 = arith.addf %add3A_315, %mul3A_375 : vector<16xf32>
          %mul3A_377 = arith.mulf %get3A_333, %select_n3A_369 : vector<16xf32>
          %add3A_378 = arith.addf %add3A_317, %mul3A_377 : vector<16xf32>
          %scan3A_379 = arith.constant 4 : i32
          %scan3A_380 = arith.addi %scan3A_137, %scan3A_379 : i32
          %mul3A_381 = arith.constant 16 : i32
          %mul3A_382 = arith.muli %scan3A_380, %mul3A_381 : i32
          %get3A_383 = arith.index_cast %rem3A_84 : i32 to index
          %get3A_384 = arith.index_cast %scan3A_127 : i32 to index
          %get3A_385 = arith.index_cast %mul3A_382 : i32 to index
          %get3A_386 = tpu.vector_load %arg5[%get3A_383, %get3A_384, %get3A_385] {strides = array<i32>} : memref<2x8x512xf32, #tpu.memory_space<vmem>>, vector<1x1x16xf32>,
          %get3A_387 = vector.shape_cast %get3A_386 : vector<1x1x16xf32> to vector<16xf32>
          %mul3A_388 = arith.constant 16 : i32
          %mul3A_389 = arith.muli %scan3A_380, %mul3A_388 : i32
          %get3A_390 = arith.index_cast %rem3A_84 : i32 to index
          %get3A_391 = arith.index_cast %scan3A_127 : i32 to index
          %get3A_392 = arith.index_cast %mul3A_389 : i32 to index
          %get3A_393 = tpu.vector_load %arg6[%get3A_390, %get3A_391, %get3A_392] {strides = array<i32>} : memref<2x8x512xf32, #tpu.memory_space<vmem>>, vector<1x1x16xf32>,
          %get3A_394 = vector.shape_cast %get3A_393 : vector<1x1x16xf32> to vector<16xf32>
          %abs3A_395 = math.absf %get3A_387 : vector<16xf32>
          %neg3A_396 = arith.constant 0.000000e+00 : f32
          %neg3A_397 = vector.broadcast %neg3A_396 : f32 to vector<16xf32>
          %neg3A_398 = arith.subf %neg3A_397, %abs3A_395 : vector<16xf32>
          %exp3A_399 = math.exp %neg3A_398 : vector<16xf32>
          %mul3A_400 = arith.constant 0.105843775 : f32
          %mul3A_401 = vector.broadcast %mul3A_400 : f32 to vector<16xf32>
          %mul3A_402 = arith.mulf %mul3A_401, %exp3A_399 : vector<16xf32>
          %add3A_403 = arith.constant -0.394195616 : f32
          %add3A_404 = vector.broadcast %add3A_403 : f32 to vector<16xf32>
          %add3A_405 = arith.addf %mul3A_402, %add3A_404 : vector<16xf32>
          %mul3A_406 = arith.mulf %add3A_405, %exp3A_399 : vector<16xf32>
          %add3A_407 = arith.constant 9.812560e-01 : f32
          %add3A_408 = vector.broadcast %add3A_407 : f32 to vector<16xf32>
          %add3A_409 = arith.addf %mul3A_406, %add3A_408 : vector<16xf32>
          %mul3A_410 = arith.mulf %add3A_409, %exp3A_399 : vector<16xf32>
          %add3A_411 = arith.constant 5.72167221E-4 : f32
          %add3A_412 = vector.broadcast %add3A_411 : f32 to vector<16xf32>
          %add3A_413 = arith.addf %mul3A_410, %add3A_412 : vector<16xf32>
          %mul3A_414 = arith.constant 0.323232323 : f32
          %mul3A_415 = vector.broadcast %mul3A_414 : f32 to vector<16xf32>
          %mul3A_416 = arith.mulf %mul3A_415, %exp3A_399 : vector<16xf32>
          %add3A_417 = arith.constant -0.808080792 : f32
          %add3A_418 = vector.broadcast %add3A_417 : f32 to vector<16xf32>
          %add3A_419 = arith.addf %mul3A_416, %add3A_418 : vector<16xf32>
          %mul3A_420 = arith.mulf %add3A_419, %exp3A_399 : vector<16xf32>
          %add3A_421 = arith.constant 0.989898979 : f32
          %add3A_422 = vector.broadcast %add3A_421 : f32 to vector<16xf32>
          %add3A_423 = arith.addf %mul3A_420, %add3A_422 : vector<16xf32>
          %gt3A_424 = arith.constant 0.000000e+00 : f32
          %gt3A_425 = vector.broadcast %gt3A_424 : f32 to vector<16xf32>
          %gt3A_426 = arith.cmpf ogt, %get3A_387, %gt3A_425 : vector<16xf32>
          %sub3A_427 = arith.constant 1.000000e+00 : f32
          %sub3A_428 = vector.broadcast %sub3A_427 : f32 to vector<16xf32>
          %sub3A_429 = arith.subf %sub3A_428, %add3A_423 : vector<16xf32>
          %select_n3A_430 = arith.select %gt3A_426, %add3A_423, %sub3A_429 : vector<16xi1>, vector<16xf32>
          %jit3A_431 = arith.constant 0.000000e+00 : f32
          %broadcast_in_dim3A_432 = vector.broadcast %jit3A_431 : f32 to vector<16xf32>
          %select_n3A_433 = arith.select %gt3A_426, %get3A_387, %broadcast_in_dim3A_432 : vector<16xi1>, vector<16xf32>
          %add3A_434 = arith.addf %select_n3A_433, %add3A_413 : vector<16xf32>
          %add3A_435 = arith.addf %add3A_374, %get3A_394 : vector<16xf32>
          %mul3A_436 = arith.mulf %get3A_394, %add3A_434 : vector<16xf32>
          %add3A_437 = arith.addf %add3A_376, %mul3A_436 : vector<16xf32>
          %mul3A_438 = arith.mulf %get3A_394, %select_n3A_430 : vector<16xf32>
          %add3A_439 = arith.addf %add3A_378, %mul3A_438 : vector<16xf32>
          %scan3A_440 = arith.constant 5 : i32
          %scan3A_441 = arith.addi %scan3A_137, %scan3A_440 : i32
          %mul3A_442 = arith.constant 16 : i32
          %mul3A_443 = arith.muli %scan3A_441, %mul3A_442 : i32
          %get3A_444 = arith.index_cast %rem3A_84 : i32 to index
          %get3A_445 = arith.index_cast %scan3A_127 : i32 to index
          %get3A_446 = arith.index_cast %mul3A_443 : i32 to index
          %get3A_447 = tpu.vector_load %arg5[%get3A_444, %get3A_445, %get3A_446] {strides = array<i32>} : memref<2x8x512xf32, #tpu.memory_space<vmem>>, vector<1x1x16xf32>,
          %get3A_448 = vector.shape_cast %get3A_447 : vector<1x1x16xf32> to vector<16xf32>
          %mul3A_449 = arith.constant 16 : i32
          %mul3A_450 = arith.muli %scan3A_441, %mul3A_449 : i32
          %get3A_451 = arith.index_cast %rem3A_84 : i32 to index
          %get3A_452 = arith.index_cast %scan3A_127 : i32 to index
          %get3A_453 = arith.index_cast %mul3A_450 : i32 to index
          %get3A_454 = tpu.vector_load %arg6[%get3A_451, %get3A_452, %get3A_453] {strides = array<i32>} : memref<2x8x512xf32, #tpu.memory_space<vmem>>, vector<1x1x16xf32>,
          %get3A_455 = vector.shape_cast %get3A_454 : vector<1x1x16xf32> to vector<16xf32>
          %abs3A_456 = math.absf %get3A_448 : vector<16xf32>
          %neg3A_457 = arith.constant 0.000000e+00 : f32
          %neg3A_458 = vector.broadcast %neg3A_457 : f32 to vector<16xf32>
          %neg3A_459 = arith.subf %neg3A_458, %abs3A_456 : vector<16xf32>
          %exp3A_460 = math.exp %neg3A_459 : vector<16xf32>
          %mul3A_461 = arith.constant 0.105843775 : f32
          %mul3A_462 = vector.broadcast %mul3A_461 : f32 to vector<16xf32>
          %mul3A_463 = arith.mulf %mul3A_462, %exp3A_460 : vector<16xf32>
          %add3A_464 = arith.constant -0.394195616 : f32
          %add3A_465 = vector.broadcast %add3A_464 : f32 to vector<16xf32>
          %add3A_466 = arith.addf %mul3A_463, %add3A_465 : vector<16xf32>
          %mul3A_467 = arith.mulf %add3A_466, %exp3A_460 : vector<16xf32>
          %add3A_468 = arith.constant 9.812560e-01 : f32
          %add3A_469 = vector.broadcast %add3A_468 : f32 to vector<16xf32>
          %add3A_470 = arith.addf %mul3A_467, %add3A_469 : vector<16xf32>
          %mul3A_471 = arith.mulf %add3A_470, %exp3A_460 : vector<16xf32>
          %add3A_472 = arith.constant 5.72167221E-4 : f32
          %add3A_473 = vector.broadcast %add3A_472 : f32 to vector<16xf32>
          %add3A_474 = arith.addf %mul3A_471, %add3A_473 : vector<16xf32>
          %mul3A_475 = arith.constant 0.323232323 : f32
          %mul3A_476 = vector.broadcast %mul3A_475 : f32 to vector<16xf32>
          %mul3A_477 = arith.mulf %mul3A_476, %exp3A_460 : vector<16xf32>
          %add3A_478 = arith.constant -0.808080792 : f32
          %add3A_479 = vector.broadcast %add3A_478 : f32 to vector<16xf32>
          %add3A_480 = arith.addf %mul3A_477, %add3A_479 : vector<16xf32>
          %mul3A_481 = arith.mulf %add3A_480, %exp3A_460 : vector<16xf32>
          %add3A_482 = arith.constant 0.989898979 : f32
          %add3A_483 = vector.broadcast %add3A_482 : f32 to vector<16xf32>
          %add3A_484 = arith.addf %mul3A_481, %add3A_483 : vector<16xf32>
          %gt3A_485 = arith.constant 0.000000e+00 : f32
          %gt3A_486 = vector.broadcast %gt3A_485 : f32 to vector<16xf32>
          %gt3A_487 = arith.cmpf ogt, %get3A_448, %gt3A_486 : vector<16xf32>
          %sub3A_488 = arith.constant 1.000000e+00 : f32
          %sub3A_489 = vector.broadcast %sub3A_488 : f32 to vector<16xf32>
          %sub3A_490 = arith.subf %sub3A_489, %add3A_484 : vector<16xf32>
          %select_n3A_491 = arith.select %gt3A_487, %add3A_484, %sub3A_490 : vector<16xi1>, vector<16xf32>
          %jit3A_492 = arith.constant 0.000000e+00 : f32
          %broadcast_in_dim3A_493 = vector.broadcast %jit3A_492 : f32 to vector<16xf32>
          %select_n3A_494 = arith.select %gt3A_487, %get3A_448, %broadcast_in_dim3A_493 : vector<16xi1>, vector<16xf32>
          %add3A_495 = arith.addf %select_n3A_494, %add3A_474 : vector<16xf32>
          %add3A_496 = arith.addf %add3A_435, %get3A_455 : vector<16xf32>
          %mul3A_497 = arith.mulf %get3A_455, %add3A_495 : vector<16xf32>
          %add3A_498 = arith.addf %add3A_437, %mul3A_497 : vector<16xf32>
          %mul3A_499 = arith.mulf %get3A_455, %select_n3A_491 : vector<16xf32>
          %add3A_500 = arith.addf %add3A_439, %mul3A_499 : vector<16xf32>
          %scan3A_501 = arith.constant 6 : i32
          %scan3A_502 = arith.addi %scan3A_137, %scan3A_501 : i32
          %mul3A_503 = arith.constant 16 : i32
          %mul3A_504 = arith.muli %scan3A_502, %mul3A_503 : i32
          %get3A_505 = arith.index_cast %rem3A_84 : i32 to index
          %get3A_506 = arith.index_cast %scan3A_127 : i32 to index
          %get3A_507 = arith.index_cast %mul3A_504 : i32 to index
          %get3A_508 = tpu.vector_load %arg5[%get3A_505, %get3A_506, %get3A_507] {strides = array<i32>} : memref<2x8x512xf32, #tpu.memory_space<vmem>>, vector<1x1x16xf32>,
          %get3A_509 = vector.shape_cast %get3A_508 : vector<1x1x16xf32> to vector<16xf32>
          %mul3A_510 = arith.constant 16 : i32
          %mul3A_511 = arith.muli %scan3A_502, %mul3A_510 : i32
          %get3A_512 = arith.index_cast %rem3A_84 : i32 to index
          %get3A_513 = arith.index_cast %scan3A_127 : i32 to index
          %get3A_514 = arith.index_cast %mul3A_511 : i32 to index
          %get3A_515 = tpu.vector_load %arg6[%get3A_512, %get3A_513, %get3A_514] {strides = array<i32>} : memref<2x8x512xf32, #tpu.memory_space<vmem>>, vector<1x1x16xf32>,
          %get3A_516 = vector.shape_cast %get3A_515 : vector<1x1x16xf32> to vector<16xf32>
          %abs3A_517 = math.absf %get3A_509 : vector<16xf32>
          %neg3A_518 = arith.constant 0.000000e+00 : f32
          %neg3A_519 = vector.broadcast %neg3A_518 : f32 to vector<16xf32>
          %neg3A_520 = arith.subf %neg3A_519, %abs3A_517 : vector<16xf32>
          %exp3A_521 = math.exp %neg3A_520 : vector<16xf32>
          %mul3A_522 = arith.constant 0.105843775 : f32
          %mul3A_523 = vector.broadcast %mul3A_522 : f32 to vector<16xf32>
          %mul3A_524 = arith.mulf %mul3A_523, %exp3A_521 : vector<16xf32>
          %add3A_525 = arith.constant -0.394195616 : f32
          %add3A_526 = vector.broadcast %add3A_525 : f32 to vector<16xf32>
          %add3A_527 = arith.addf %mul3A_524, %add3A_526 : vector<16xf32>
          %mul3A_528 = arith.mulf %add3A_527, %exp3A_521 : vector<16xf32>
          %add3A_529 = arith.constant 9.812560e-01 : f32
          %add3A_530 = vector.broadcast %add3A_529 : f32 to vector<16xf32>
          %add3A_531 = arith.addf %mul3A_528, %add3A_530 : vector<16xf32>
          %mul3A_532 = arith.mulf %add3A_531, %exp3A_521 : vector<16xf32>
          %add3A_533 = arith.constant 5.72167221E-4 : f32
          %add3A_534 = vector.broadcast %add3A_533 : f32 to vector<16xf32>
          %add3A_535 = arith.addf %mul3A_532, %add3A_534 : vector<16xf32>
          %mul3A_536 = arith.constant 0.323232323 : f32
          %mul3A_537 = vector.broadcast %mul3A_536 : f32 to vector<16xf32>
          %mul3A_538 = arith.mulf %mul3A_537, %exp3A_521 : vector<16xf32>
          %add3A_539 = arith.constant -0.808080792 : f32
          %add3A_540 = vector.broadcast %add3A_539 : f32 to vector<16xf32>
          %add3A_541 = arith.addf %mul3A_538, %add3A_540 : vector<16xf32>
          %mul3A_542 = arith.mulf %add3A_541, %exp3A_521 : vector<16xf32>
          %add3A_543 = arith.constant 0.989898979 : f32
          %add3A_544 = vector.broadcast %add3A_543 : f32 to vector<16xf32>
          %add3A_545 = arith.addf %mul3A_542, %add3A_544 : vector<16xf32>
          %gt3A_546 = arith.constant 0.000000e+00 : f32
          %gt3A_547 = vector.broadcast %gt3A_546 : f32 to vector<16xf32>
          %gt3A_548 = arith.cmpf ogt, %get3A_509, %gt3A_547 : vector<16xf32>
          %sub3A_549 = arith.constant 1.000000e+00 : f32
          %sub3A_550 = vector.broadcast %sub3A_549 : f32 to vector<16xf32>
          %sub3A_551 = arith.subf %sub3A_550, %add3A_545 : vector<16xf32>
          %select_n3A_552 = arith.select %gt3A_548, %add3A_545, %sub3A_551 : vector<16xi1>, vector<16xf32>
          %jit3A_553 = arith.constant 0.000000e+00 : f32
          %broadcast_in_dim3A_554 = vector.broadcast %jit3A_553 : f32 to vector<16xf32>
          %select_n3A_555 = arith.select %gt3A_548, %get3A_509, %broadcast_in_dim3A_554 : vector<16xi1>, vector<16xf32>
          %add3A_556 = arith.addf %select_n3A_555, %add3A_535 : vector<16xf32>
          %add3A_557 = arith.addf %add3A_496, %get3A_516 : vector<16xf32>
          %mul3A_558 = arith.mulf %get3A_516, %add3A_556 : vector<16xf32>
          %add3A_559 = arith.addf %add3A_498, %mul3A_558 : vector<16xf32>
          %mul3A_560 = arith.mulf %get3A_516, %select_n3A_552 : vector<16xf32>
          %add3A_561 = arith.addf %add3A_500, %mul3A_560 : vector<16xf32>
          %scan3A_562 = arith.constant 7 : i32
          %scan3A_563 = arith.addi %scan3A_137, %scan3A_562 : i32
          %mul3A_564 = arith.constant 16 : i32
          %mul3A_565 = arith.muli %scan3A_563, %mul3A_564 : i32
          %get3A_566 = arith.index_cast %rem3A_84 : i32 to index
          %get3A_567 = arith.index_cast %scan3A_127 : i32 to index
          %get3A_568 = arith.index_cast %mul3A_565 : i32 to index
          %get3A_569 = tpu.vector_load %arg5[%get3A_566, %get3A_567, %get3A_568] {strides = array<i32>} : memref<2x8x512xf32, #tpu.memory_space<vmem>>, vector<1x1x16xf32>,
          %get3A_570 = vector.shape_cast %get3A_569 : vector<1x1x16xf32> to vector<16xf32>
          %mul3A_571 = arith.constant 16 : i32
          %mul3A_572 = arith.muli %scan3A_563, %mul3A_571 : i32
          %get3A_573 = arith.index_cast %rem3A_84 : i32 to index
          %get3A_574 = arith.index_cast %scan3A_127 : i32 to index
          %get3A_575 = arith.index_cast %mul3A_572 : i32 to index
          %get3A_576 = tpu.vector_load %arg6[%get3A_573, %get3A_574, %get3A_575] {strides = array<i32>} : memref<2x8x512xf32, #tpu.memory_space<vmem>>, vector<1x1x16xf32>,
          %get3A_577 = vector.shape_cast %get3A_576 : vector<1x1x16xf32> to vector<16xf32>
          %abs3A_578 = math.absf %get3A_570 : vector<16xf32>
          %neg3A_579 = arith.constant 0.000000e+00 : f32
          %neg3A_580 = vector.broadcast %neg3A_579 : f32 to vector<16xf32>
          %neg3A_581 = arith.subf %neg3A_580, %abs3A_578 : vector<16xf32>
          %exp3A_582 = math.exp %neg3A_581 : vector<16xf32>
          %mul3A_583 = arith.constant 0.105843775 : f32
          %mul3A_584 = vector.broadcast %mul3A_583 : f32 to vector<16xf32>
          %mul3A_585 = arith.mulf %mul3A_584, %exp3A_582 : vector<16xf32>
          %add3A_586 = arith.constant -0.394195616 : f32
          %add3A_587 = vector.broadcast %add3A_586 : f32 to vector<16xf32>
          %add3A_588 = arith.addf %mul3A_585, %add3A_587 : vector<16xf32>
          %mul3A_589 = arith.mulf %add3A_588, %exp3A_582 : vector<16xf32>
          %add3A_590 = arith.constant 9.812560e-01 : f32
          %add3A_591 = vector.broadcast %add3A_590 : f32 to vector<16xf32>
          %add3A_592 = arith.addf %mul3A_589, %add3A_591 : vector<16xf32>
          %mul3A_593 = arith.mulf %add3A_592, %exp3A_582 : vector<16xf32>
          %add3A_594 = arith.constant 5.72167221E-4 : f32
          %add3A_595 = vector.broadcast %add3A_594 : f32 to vector<16xf32>
          %add3A_596 = arith.addf %mul3A_593, %add3A_595 : vector<16xf32>
          %mul3A_597 = arith.constant 0.323232323 : f32
          %mul3A_598 = vector.broadcast %mul3A_597 : f32 to vector<16xf32>
          %mul3A_599 = arith.mulf %mul3A_598, %exp3A_582 : vector<16xf32>
          %add3A_600 = arith.constant -0.808080792 : f32
          %add3A_601 = vector.broadcast %add3A_600 : f32 to vector<16xf32>
          %add3A_602 = arith.addf %mul3A_599, %add3A_601 : vector<16xf32>
          %mul3A_603 = arith.mulf %add3A_602, %exp3A_582 : vector<16xf32>
          %add3A_604 = arith.constant 0.989898979 : f32
          %add3A_605 = vector.broadcast %add3A_604 : f32 to vector<16xf32>
          %add3A_606 = arith.addf %mul3A_603, %add3A_605 : vector<16xf32>
          %gt3A_607 = arith.constant 0.000000e+00 : f32
          %gt3A_608 = vector.broadcast %gt3A_607 : f32 to vector<16xf32>
          %gt3A_609 = arith.cmpf ogt, %get3A_570, %gt3A_608 : vector<16xf32>
          %sub3A_610 = arith.constant 1.000000e+00 : f32
          %sub3A_611 = vector.broadcast %sub3A_610 : f32 to vector<16xf32>
          %sub3A_612 = arith.subf %sub3A_611, %add3A_606 : vector<16xf32>
          %select_n3A_613 = arith.select %gt3A_609, %add3A_606, %sub3A_612 : vector<16xi1>, vector<16xf32>
          %jit3A_614 = arith.constant 0.000000e+00 : f32
          %broadcast_in_dim3A_615 = vector.broadcast %jit3A_614 : f32 to vector<16xf32>
          %select_n3A_616 = arith.select %gt3A_609, %get3A_570, %broadcast_in_dim3A_615 : vector<16xi1>, vector<16xf32>
          %add3A_617 = arith.addf %select_n3A_616, %add3A_596 : vector<16xf32>
          %add3A_618 = arith.addf %add3A_557, %get3A_577 : vector<16xf32>
          %mul3A_619 = arith.mulf %get3A_577, %add3A_617 : vector<16xf32>
          %add3A_620 = arith.addf %add3A_559, %mul3A_619 : vector<16xf32>
          %mul3A_621 = arith.mulf %get3A_577, %select_n3A_613 : vector<16xf32>
          %add3A_622 = arith.addf %add3A_561, %mul3A_621 : vector<16xf32>
          scf.yield %add3A_618, %add3A_620, %add3A_622 : vector<16xf32>, vector<16xf32>, vector<16xf32>
        }
        %scan3A_136 = arith.constant 32 : i32
        scf.yield %scan3A_135#0, %scan3A_135#1, %scan3A_135#2 : vector<16xf32>, vector<16xf32>, vector<16xf32>
      }
      %scan3A_126 = arith.constant 8 : i32
      scf.yield %scan3A_125#0, %scan3A_125#1, %scan3A_125#2 : vector<16xf32>, vector<16xf32>, vector<16xf32>
    }
    %swap3A = arith.constant 0 : index
    %swap3A_36 = tpu.vector_load %arg7[%swap3A] {strides = array<i32>} : memref<128xf32, #tpu.memory_space<vmem>>, vector<16xf32>,
    %swap3A_37 = vector.shape_cast %swap3A_36 : vector<16xf32> to vector<16xf32>
    %swap3A_38 = vector.shape_cast %broadcast_in_dim3A_25 : vector<16xf32> to vector<16xf32>
    tpu.vector_store %arg7[%swap3A], %swap3A_38 {strides = array<i32>} : memref<128xf32, #tpu.memory_space<vmem>>, vector<16xf32>,
    %swap3A_39 = arith.constant 16 : index
    %swap3A_40 = tpu.vector_load %arg7[%swap3A_39] {strides = array<i32>} : memref<128xf32, #tpu.memory_space<vmem>>, vector<16xf32>,
    %swap3A_41 = vector.shape_cast %swap3A_40 : vector<16xf32> to vector<16xf32>
    %swap3A_42 = vector.shape_cast %broadcast_in_dim3A_25 : vector<16xf32> to vector<16xf32>
    tpu.vector_store %arg7[%swap3A_39], %swap3A_42 {strides = array<i32>} : memref<128xf32, #tpu.memory_space<vmem>>, vector<16xf32>,
    %swap3A_43 = arith.constant 32 : index
    %swap3A_44 = tpu.vector_load %arg7[%swap3A_43] {strides = array<i32>} : memref<128xf32, #tpu.memory_space<vmem>>, vector<16xf32>,
    %swap3A_45 = vector.shape_cast %swap3A_44 : vector<16xf32> to vector<16xf32>
    %swap3A_46 = vector.shape_cast %broadcast_in_dim3A_25 : vector<16xf32> to vector<16xf32>
    tpu.vector_store %arg7[%swap3A_43], %swap3A_46 {strides = array<i32>} : memref<128xf32, #tpu.memory_space<vmem>>, vector<16xf32>,
    %swap3A_47 = arith.constant 48 : index
    %swap3A_48 = tpu.vector_load %arg7[%swap3A_47] {strides = array<i32>} : memref<128xf32, #tpu.memory_space<vmem>>, vector<16xf32>,
    %swap3A_49 = vector.shape_cast %swap3A_48 : vector<16xf32> to vector<16xf32>
    %swap3A_50 = vector.shape_cast %broadcast_in_dim3A_25 : vector<16xf32> to vector<16xf32>
    tpu.vector_store %arg7[%swap3A_47], %swap3A_50 {strides = array<i32>} : memref<128xf32, #tpu.memory_space<vmem>>, vector<16xf32>,
    %swap3A_51 = arith.constant 64 : index
    %swap3A_52 = tpu.vector_load %arg7[%swap3A_51] {strides = array<i32>} : memref<128xf32, #tpu.memory_space<vmem>>, vector<16xf32>,
    %swap3A_53 = vector.shape_cast %swap3A_52 : vector<16xf32> to vector<16xf32>
    %swap3A_54 = vector.shape_cast %broadcast_in_dim3A_25 : vector<16xf32> to vector<16xf32>
    tpu.vector_store %arg7[%swap3A_51], %swap3A_54 {strides = array<i32>} : memref<128xf32, #tpu.memory_space<vmem>>, vector<16xf32>,
    %swap3A_55 = arith.constant 80 : index
    %swap3A_56 = tpu.vector_load %arg7[%swap3A_55] {strides = array<i32>} : memref<128xf32, #tpu.memory_space<vmem>>, vector<16xf32>,
    %swap3A_57 = vector.shape_cast %swap3A_56 : vector<16xf32> to vector<16xf32>
    %swap3A_58 = vector.shape_cast %broadcast_in_dim3A_25 : vector<16xf32> to vector<16xf32>
    tpu.vector_store %arg7[%swap3A_55], %swap3A_58 {strides = array<i32>} : memref<128xf32, #tpu.memory_space<vmem>>, vector<16xf32>,
    %swap3A_59 = arith.constant 96 : index
    %swap3A_60 = tpu.vector_load %arg7[%swap3A_59] {strides = array<i32>} : memref<128xf32, #tpu.memory_space<vmem>>, vector<16xf32>,
    %swap3A_61 = vector.shape_cast %swap3A_60 : vector<16xf32> to vector<16xf32>
    %swap3A_62 = vector.shape_cast %broadcast_in_dim3A_25 : vector<16xf32> to vector<16xf32>
    tpu.vector_store %arg7[%swap3A_59], %swap3A_62 {strides = array<i32>} : memref<128xf32, #tpu.memory_space<vmem>>, vector<16xf32>,
    %swap3A_63 = arith.constant 112 : index
    %swap3A_64 = tpu.vector_load %arg7[%swap3A_63] {strides = array<i32>} : memref<128xf32, #tpu.memory_space<vmem>>, vector<16xf32>,
    %swap3A_65 = vector.shape_cast %swap3A_64 : vector<16xf32> to vector<16xf32>
    %swap3A_66 = vector.shape_cast %broadcast_in_dim3A_25 : vector<16xf32> to vector<16xf32>
    tpu.vector_store %arg7[%swap3A_63], %swap3A_66 {strides = array<i32>} : memref<128xf32, #tpu.memory_space<vmem>>, vector<16xf32>,
    %swap3A_67 = arith.constant 0 : index
    %swap3A_68 = tpu.vector_load %arg7[%swap3A_67] {strides = array<i32>} : memref<128xf32, #tpu.memory_space<vmem>>, vector<16xf32>,
    %swap3A_69 = vector.shape_cast %swap3A_68 : vector<16xf32> to vector<16xf32>
    %swap3A_70 = vector.shape_cast %while3A_35#0 : vector<16xf32> to vector<16xf32>
    tpu.vector_store %arg7[%swap3A_67], %swap3A_70 {strides = array<i32>} : memref<128xf32, #tpu.memory_space<vmem>>, vector<16xf32>,
    %swap3A_71 = arith.constant 16 : index
    %swap3A_72 = tpu.vector_load %arg7[%swap3A_71] {strides = array<i32>} : memref<128xf32, #tpu.memory_space<vmem>>, vector<16xf32>,
    %swap3A_73 = vector.shape_cast %swap3A_72 : vector<16xf32> to vector<16xf32>
    %swap3A_74 = vector.shape_cast %while3A_35#1 : vector<16xf32> to vector<16xf32>
    tpu.vector_store %arg7[%swap3A_71], %swap3A_74 {strides = array<i32>} : memref<128xf32, #tpu.memory_space<vmem>>, vector<16xf32>,
    %swap3A_75 = arith.constant 32 : index
    %swap3A_76 = tpu.vector_load %arg7[%swap3A_75] {strides = array<i32>} : memref<128xf32, #tpu.memory_space<vmem>>, vector<16xf32>,
    %swap3A_77 = vector.shape_cast %swap3A_76 : vector<16xf32> to vector<16xf32>
    %swap3A_78 = vector.shape_cast %while3A_35#2 : vector<16xf32> to vector<16xf32>
    tpu.vector_store %arg7[%swap3A_75], %swap3A_78 {strides = array<i32>} : memref<128xf32, #tpu.memory_space<vmem>>, vector<16xf32>,
    "tpu.region"() ({
      %run_scoped3A = tpu.sem_alloc : memref<!tpu.dma_semaphore, #tpu.memory_space<semaphore_mem>>
      %dma_start3A = arith.constant 0 : i32
      %dma_start3A_79 = tpu.memref_slice %arg4[%add3A, %dma_start3A] : memref<32x128xf32, #tpu.memory_space<hbm>> -> memref<1x128xf32, #tpu.memory_space<hbm>>
      %dma_start3A_80 = tpu.memref_squeeze %dma_start3A_79 : memref<1x128xf32, #tpu.memory_space<hbm>> -> memref<128xf32, #tpu.memory_space<hbm>>
      %dma_start3A_81 = arith.constant 0 : i32
      %dma_start3A_82 = tpu.memref_slice %arg4[%add3A, %dma_start3A_81] : memref<32x128xf32, #tpu.memory_space<hbm>> -> memref<1x128xf32, #tpu.memory_space<hbm>>
      %dma_start3A_83 = tpu.memref_squeeze %dma_start3A_82 : memref<1x128xf32, #tpu.memory_space<hbm>> -> memref<128xf32, #tpu.memory_space<hbm>>
      tpu.enqueue_dma source(%arg7 : memref<128xf32, #tpu.memory_space<vmem>>) target(%dma_start3A_83 : memref<128xf32, #tpu.memory_space<hbm>>) target_semaphore(%run_scoped3A : memref<!tpu.dma_semaphore, #tpu.memory_space<semaphore_mem>>)
      %dma_wait3A = arith.constant 0 : i32
      %dma_wait3A_84 = tpu.memref_slice %arg4[%add3A, %dma_wait3A] : memref<32x128xf32, #tpu.memory_space<hbm>> -> memref<1x128xf32, #tpu.memory_space<hbm>>
      %dma_wait3A_85 = tpu.memref_squeeze %dma_wait3A_84 : memref<1x128xf32, #tpu.memory_space<hbm>> -> memref<128xf32, #tpu.memory_space<hbm>>
      %dma_wait3A_86 = arith.constant 0 : i32
      %dma_wait3A_87 = tpu.memref_slice %arg4[%add3A, %dma_wait3A_86] : memref<32x128xf32, #tpu.memory_space<hbm>> -> memref<1x128xf32, #tpu.memory_space<hbm>>
      %dma_wait3A_88 = tpu.memref_squeeze %dma_wait3A_87 : memref<1x128xf32, #tpu.memory_space<hbm>> -> memref<128xf32, #tpu.memory_space<hbm>>
      tpu.wait_dma2 semaphore(%run_scoped3A : memref<!tpu.dma_semaphore, #tpu.memory_space<semaphore_mem>>) src(%arg7 : memref<128xf32, #tpu.memory_space<vmem>>) dst(%dma_wait3A_88 : memref<128xf32, #tpu.memory_space<hbm>>)
      tpu.yield
    }) : () -> ()
    return
  }
}

module attributes {stable_mosaic.version = 14 : i64} {
  func.func @_corner_body(%arg0: i32, %arg1: memref<8x384xf32, #tpu.memory_space<vmem>>, %arg2: memref<8x384xf32, #tpu.memory_space<vmem>>, %arg3: memref<3xf32, #tpu.memory_space<smem>>) attributes {dimension_semantics = [#tpu.dimension_semantics<arbitrary>], iteration_bounds = array<i64: 1>, scalar_prefetch = 0 : i64, scratch_operands = 0 : i64, tpu.core_type = #tpu.core_type<tc>, window_params = [{transform_indices = @transform_0, window_bounds = array<i64: 8, 384>}, {transform_indices = @transform_1, window_bounds = array<i64: 8, 384>}, {transform_indices = @transform_2, window_bounds = array<i64: 3>}]} {
    %get3A = arith.constant 0 : index
    %get3A_0 = arith.constant 0 : index
    %get3A_1 = vector.load %arg1[%get3A, %get3A_0] : memref<8x384xf32, #tpu.memory_space<vmem>>, vector<8x384xf32>
    %get3A_2 = arith.constant 0 : index
    %get3A_3 = arith.constant 0 : index
    %get3A_4 = vector.load %arg2[%get3A_2, %get3A_3] : memref<8x384xf32, #tpu.memory_space<vmem>>, vector<8x384xf32>
    %iota3A = tpu.iota {dimensions = array<i32: 1>} : vector<8x384xi32>
    %lt3A = arith.constant 320 : i32
    %lt3A_5 = vector.broadcast %lt3A : i32 to vector<8x384xi32>
    %lt3A_6 = arith.cmpi slt, %iota3A, %lt3A_5 : vector<8x384xi32>
    %jit3A = arith.constant 0.000000e+00 : f32
    %broadcast_in_dim3A = vector.broadcast %jit3A : f32 to vector<8x384xf32>
    %select_n3A = arith.select %lt3A_6, %get3A_1, %broadcast_in_dim3A : vector<8x384xi1>, vector<8x384xf32>
    %jit3A_7 = arith.constant 0.000000e+00 : f32
    %broadcast_in_dim3A_8 = vector.broadcast %jit3A_7 : f32 to vector<8x384xf32>
    %select_n3A_9 = arith.select %lt3A_6, %get3A_4, %broadcast_in_dim3A_8 : vector<8x384xi1>, vector<8x384xf32>
    %abs3A = math.absf %select_n3A : vector<8x384xf32>
    %neg3A = arith.constant 0.000000e+00 : f32
    %neg3A_10 = vector.broadcast %neg3A : f32 to vector<8x384xf32>
    %neg3A_11 = arith.subf %neg3A_10, %abs3A : vector<8x384xf32>
    %exp3A = math.exp %neg3A_11 : vector<8x384xf32>
    %mul3A = arith.constant 0.105843775 : f32
    %mul3A_12 = vector.broadcast %mul3A : f32 to vector<8x384xf32>
    %mul3A_13 = arith.mulf %mul3A_12, %exp3A : vector<8x384xf32>
    %add3A = arith.constant -0.394195616 : f32
    %add3A_14 = vector.broadcast %add3A : f32 to vector<8x384xf32>
    %add3A_15 = arith.addf %mul3A_13, %add3A_14 : vector<8x384xf32>
    %mul3A_16 = arith.mulf %add3A_15, %exp3A : vector<8x384xf32>
    %add3A_17 = arith.constant 9.812560e-01 : f32
    %add3A_18 = vector.broadcast %add3A_17 : f32 to vector<8x384xf32>
    %add3A_19 = arith.addf %mul3A_16, %add3A_18 : vector<8x384xf32>
    %mul3A_20 = arith.mulf %add3A_19, %exp3A : vector<8x384xf32>
    %add3A_21 = arith.constant 5.72167221E-4 : f32
    %add3A_22 = vector.broadcast %add3A_21 : f32 to vector<8x384xf32>
    %add3A_23 = arith.addf %mul3A_20, %add3A_22 : vector<8x384xf32>
    %mul3A_24 = arith.constant 0.323232323 : f32
    %mul3A_25 = vector.broadcast %mul3A_24 : f32 to vector<8x384xf32>
    %mul3A_26 = arith.mulf %mul3A_25, %exp3A : vector<8x384xf32>
    %add3A_27 = arith.constant -0.808080792 : f32
    %add3A_28 = vector.broadcast %add3A_27 : f32 to vector<8x384xf32>
    %add3A_29 = arith.addf %mul3A_26, %add3A_28 : vector<8x384xf32>
    %mul3A_30 = arith.mulf %add3A_29, %exp3A : vector<8x384xf32>
    %add3A_31 = arith.constant 0.989898979 : f32
    %add3A_32 = vector.broadcast %add3A_31 : f32 to vector<8x384xf32>
    %add3A_33 = arith.addf %mul3A_30, %add3A_32 : vector<8x384xf32>
    %gt3A = arith.constant 0.000000e+00 : f32
    %gt3A_34 = vector.broadcast %gt3A : f32 to vector<8x384xf32>
    %gt3A_35 = arith.cmpf ogt, %select_n3A, %gt3A_34 : vector<8x384xf32>
    %sub3A = arith.constant 1.000000e+00 : f32
    %sub3A_36 = vector.broadcast %sub3A : f32 to vector<8x384xf32>
    %sub3A_37 = arith.subf %sub3A_36, %add3A_33 : vector<8x384xf32>
    %select_n3A_38 = arith.select %gt3A_35, %add3A_33, %sub3A_37 : vector<8x384xi1>, vector<8x384xf32>
    %jit3A_39 = arith.constant 0.000000e+00 : f32
    %broadcast_in_dim3A_40 = vector.broadcast %jit3A_39 : f32 to vector<8x384xf32>
    %select_n3A_41 = arith.select %gt3A_35, %select_n3A, %broadcast_in_dim3A_40 : vector<8x384xi1>, vector<8x384xf32>
    %add3A_42 = arith.addf %select_n3A_41, %add3A_23 : vector<8x384xf32>
    %reduce_sum3A = vector.shape_cast %select_n3A_9 : vector<8x384xf32> to vector<1x8x384xf32>
    %reduce_sum3A_43 = arith.constant dense<0.000000e+00> : vector<1xf32>
    %reduce_sum3A_44 = vector.multi_reduction <add>, %reduce_sum3A, %reduce_sum3A_43 [1, 2] : vector<1x8x384xf32> to vector<1xf32>
    %reduce_sum3A_45 = vector.shape_cast %reduce_sum3A_44 : vector<1xf32> to vector<1x1x1xf32>
    %reduce_sum3A_46 = vector.extract %reduce_sum3A_45[0, 0, 0] : f32 from vector<1x1x1xf32>
    %swap3A = arith.constant 0 : index
    %swap3A_47 = memref.load %arg3[%swap3A] : memref<3xf32, #tpu.memory_space<smem>>
    memref.store %reduce_sum3A_46, %arg3[%swap3A] : memref<3xf32, #tpu.memory_space<smem>>
    %mul3A_48 = arith.mulf %select_n3A_9, %add3A_42 : vector<8x384xf32>
    %reduce_sum3A_49 = vector.shape_cast %mul3A_48 : vector<8x384xf32> to vector<1x8x384xf32>
    %reduce_sum3A_50 = arith.constant dense<0.000000e+00> : vector<1xf32>
    %reduce_sum3A_51 = vector.multi_reduction <add>, %reduce_sum3A_49, %reduce_sum3A_50 [1, 2] : vector<1x8x384xf32> to vector<1xf32>
    %reduce_sum3A_52 = vector.shape_cast %reduce_sum3A_51 : vector<1xf32> to vector<1x1x1xf32>
    %reduce_sum3A_53 = vector.extract %reduce_sum3A_52[0, 0, 0] : f32 from vector<1x1x1xf32>
    %swap3A_54 = arith.constant 1 : index
    %swap3A_55 = memref.load %arg3[%swap3A_54] : memref<3xf32, #tpu.memory_space<smem>>
    memref.store %reduce_sum3A_53, %arg3[%swap3A_54] : memref<3xf32, #tpu.memory_space<smem>>
    %mul3A_56 = arith.mulf %select_n3A_9, %select_n3A_38 : vector<8x384xf32>
    %reduce_sum3A_57 = vector.shape_cast %mul3A_56 : vector<8x384xf32> to vector<1x8x384xf32>
    %reduce_sum3A_58 = arith.constant dense<0.000000e+00> : vector<1xf32>
    %reduce_sum3A_59 = vector.multi_reduction <add>, %reduce_sum3A_57, %reduce_sum3A_58 [1, 2] : vector<1x8x384xf32> to vector<1xf32>
    %reduce_sum3A_60 = vector.shape_cast %reduce_sum3A_59 : vector<1xf32> to vector<1x1x1xf32>
    %reduce_sum3A_61 = vector.extract %reduce_sum3A_60[0, 0, 0] : f32 from vector<1x1x1xf32>
    %swap3A_62 = arith.constant 2 : index
    %swap3A_63 = memref.load %arg3[%swap3A_62] : memref<3xf32, #tpu.memory_space<smem>>
    memref.store %reduce_sum3A_61, %arg3[%swap3A_62] : memref<3xf32, #tpu.memory_space<smem>>
    return
  }
  func.func @transform_0(%arg0: i32) -> (i32, i32) {
    %c7_i32 = arith.constant 7 : i32
    %c520_i32 = arith.constant 520 : i32
    %c0_i32 = arith.constant 0 : i32
    return %c7_i32, %c520_i32 : i32, i32
  }
  func.func @transform_1(%arg0: i32) -> (i32, i32) {
    %c7_i32 = arith.constant 7 : i32
    %c520_i32 = arith.constant 520 : i32
    %c0_i32 = arith.constant 0 : i32
    return %c7_i32, %c520_i32 : i32, i32
  }
  func.func @transform_2(%arg0: i32) -> i32 {
    %c0_i32 = arith.constant 0 : i32
    %c0_i32_0 = arith.constant 0 : i32
    return %c0_i32 : i32
  }
}

module attributes {stable_mosaic.version = 14 : i64} {
  func.func @_tc_body(%arg0: i32, %arg1: memref<56x25600xf32, #tpu.memory_space<vmem>>, %arg2: memref<56x25600xf32, #tpu.memory_space<vmem>>, %arg3: memref<3xf32, #tpu.memory_space<smem>>) attributes {dimension_semantics = [#tpu.dimension_semantics<arbitrary>], iteration_bounds = array<i64: 8>, scalar_prefetch = 0 : i64, scratch_operands = 0 : i64, tpu.core_type = #tpu.core_type<tc>, window_params = [{transform_indices = @transform_0, window_bounds = array<i64: 56, 25600>}, {transform_indices = @transform_1, window_bounds = array<i64: 56, 25600>}, {transform_indices = @transform_2, window_bounds = array<i64: 3>}]} {
    %eq3A = arith.constant 0 : i32
    %eq3A_0 = arith.cmpi eq, %arg0, %eq3A : i32
    %convert_element_type3A = arith.extui %eq3A_0 : i1 to i32
    %cond3A = arith.constant 0 : i32
    %cond3A_1 = arith.cmpi ne, %convert_element_type3A, %cond3A : i32
    scf.if %cond3A_1 {
      %swap3A_36 = arith.constant 0.000000e+00 : f32
      %swap3A_37 = arith.constant 0 : index
      %swap3A_38 = memref.load %arg3[%swap3A_37] : memref<3xf32, #tpu.memory_space<smem>>
      memref.store %swap3A_36, %arg3[%swap3A_37] : memref<3xf32, #tpu.memory_space<smem>>
      %swap3A_39 = arith.constant 0.000000e+00 : f32
      %swap3A_40 = arith.constant 1 : index
      %swap3A_41 = memref.load %arg3[%swap3A_40] : memref<3xf32, #tpu.memory_space<smem>>
      memref.store %swap3A_39, %arg3[%swap3A_40] : memref<3xf32, #tpu.memory_space<smem>>
      %swap3A_42 = arith.constant 0.000000e+00 : f32
      %swap3A_43 = arith.constant 2 : index
      %swap3A_44 = memref.load %arg3[%swap3A_43] : memref<3xf32, #tpu.memory_space<smem>>
      memref.store %swap3A_42, %arg3[%swap3A_43] : memref<3xf32, #tpu.memory_space<smem>>
    } else {
    }
    %mul3A = arith.constant 25600 : i32
    %mul3A_2 = arith.muli %arg0, %mul3A : i32
    %sub3A = arith.constant 200000 : i32
    %sub3A_3 = arith.subi %sub3A, %mul3A_2 : i32
    %iota3A = tpu.iota {dimensions = array<i32: 1>} : vector<56x128xi32>
    %broadcast_in_dim3A = arith.constant 0.000000e+00 : f32
    %broadcast_in_dim3A_4 = vector.broadcast %broadcast_in_dim3A : f32 to vector<56x128xf32>
    %scan3A = arith.constant 0 : i32
    %scan3A_5 = arith.constant 200 : i32
    %scan3A_6 = arith.addi %scan3A, %scan3A_5 : i32
    %scan3A_7 = arith.constant 2 : i32
    %scan3A_8:3 = scf.for %scan3A_36 = %scan3A to %scan3A_6 step %scan3A_7 iter_args(%scan3A_37 = %broadcast_in_dim3A_4, %scan3A_38 = %broadcast_in_dim3A_4, %scan3A_39 = %broadcast_in_dim3A_4) -> (vector<56x128xf32>, vector<56x128xf32>, vector<56x128xf32>)  : i32 {
      %mul3A_40 = arith.constant 128 : i32
      %mul3A_41 = arith.muli %scan3A_36, %mul3A_40 : i32
      %get3A_42 = arith.constant 0 : index
      %get3A_43 = arith.index_cast %mul3A_41 : i32 to index
      %get3A_44 = vector.load %arg1[%get3A_42, %get3A_43] : memref<56x25600xf32, #tpu.memory_space<vmem>>, vector<56x128xf32>
      %mul3A_45 = arith.constant 128 : i32
      %mul3A_46 = arith.muli %scan3A_36, %mul3A_45 : i32
      %get3A_47 = arith.constant 0 : index
      %get3A_48 = arith.index_cast %mul3A_46 : i32 to index
      %get3A_49 = vector.load %arg2[%get3A_47, %get3A_48] : memref<56x25600xf32, #tpu.memory_space<vmem>>, vector<56x128xf32>
      %mul3A_50 = arith.constant 128 : i32
      %mul3A_51 = arith.muli %scan3A_36, %mul3A_50 : i32
      %sub3A_52 = arith.subi %sub3A_3, %mul3A_51 : i32
      %lt3A = vector.broadcast %sub3A_52 : i32 to vector<56x128xi32>
      %lt3A_53 = arith.cmpi slt, %iota3A, %lt3A : vector<56x128xi32>
      %jit3A = arith.constant 0.000000e+00 : f32
      %broadcast_in_dim3A_54 = vector.broadcast %jit3A : f32 to vector<56x128xf32>
      %select_n3A = arith.select %lt3A_53, %get3A_44, %broadcast_in_dim3A_54 : vector<56x128xi1>, vector<56x128xf32>
      %jit3A_55 = arith.constant 0.000000e+00 : f32
      %broadcast_in_dim3A_56 = vector.broadcast %jit3A_55 : f32 to vector<56x128xf32>
      %select_n3A_57 = arith.select %lt3A_53, %get3A_49, %broadcast_in_dim3A_56 : vector<56x128xi1>, vector<56x128xf32>
      %abs3A = math.absf %select_n3A : vector<56x128xf32>
      %neg3A = arith.constant 0.000000e+00 : f32
      %neg3A_58 = vector.broadcast %neg3A : f32 to vector<56x128xf32>
      %neg3A_59 = arith.subf %neg3A_58, %abs3A : vector<56x128xf32>
      %exp3A = math.exp %neg3A_59 : vector<56x128xf32>
      %mul3A_60 = arith.constant 0.105843775 : f32
      %mul3A_61 = vector.broadcast %mul3A_60 : f32 to vector<56x128xf32>
      %mul3A_62 = arith.mulf %mul3A_61, %exp3A : vector<56x128xf32>
      %add3A_63 = arith.constant -0.394195616 : f32
      %add3A_64 = vector.broadcast %add3A_63 : f32 to vector<56x128xf32>
      %add3A_65 = arith.addf %mul3A_62, %add3A_64 : vector<56x128xf32>
      %mul3A_66 = arith.mulf %add3A_65, %exp3A : vector<56x128xf32>
      %add3A_67 = arith.constant 9.812560e-01 : f32
      %add3A_68 = vector.broadcast %add3A_67 : f32 to vector<56x128xf32>
      %add3A_69 = arith.addf %mul3A_66, %add3A_68 : vector<56x128xf32>
      %mul3A_70 = arith.mulf %add3A_69, %exp3A : vector<56x128xf32>
      %add3A_71 = arith.constant 5.72167221E-4 : f32
      %add3A_72 = vector.broadcast %add3A_71 : f32 to vector<56x128xf32>
      %add3A_73 = arith.addf %mul3A_70, %add3A_72 : vector<56x128xf32>
      %mul3A_74 = arith.constant 0.323232323 : f32
      %mul3A_75 = vector.broadcast %mul3A_74 : f32 to vector<56x128xf32>
      %mul3A_76 = arith.mulf %mul3A_75, %exp3A : vector<56x128xf32>
      %add3A_77 = arith.constant -0.808080792 : f32
      %add3A_78 = vector.broadcast %add3A_77 : f32 to vector<56x128xf32>
      %add3A_79 = arith.addf %mul3A_76, %add3A_78 : vector<56x128xf32>
      %mul3A_80 = arith.mulf %add3A_79, %exp3A : vector<56x128xf32>
      %add3A_81 = arith.constant 0.989898979 : f32
      %add3A_82 = vector.broadcast %add3A_81 : f32 to vector<56x128xf32>
      %add3A_83 = arith.addf %mul3A_80, %add3A_82 : vector<56x128xf32>
      %gt3A = arith.constant 0.000000e+00 : f32
      %gt3A_84 = vector.broadcast %gt3A : f32 to vector<56x128xf32>
      %gt3A_85 = arith.cmpf ogt, %select_n3A, %gt3A_84 : vector<56x128xf32>
      %sub3A_86 = arith.constant 1.000000e+00 : f32
      %sub3A_87 = vector.broadcast %sub3A_86 : f32 to vector<56x128xf32>
      %sub3A_88 = arith.subf %sub3A_87, %add3A_83 : vector<56x128xf32>
      %select_n3A_89 = arith.select %gt3A_85, %add3A_83, %sub3A_88 : vector<56x128xi1>, vector<56x128xf32>
      %jit3A_90 = arith.constant 0.000000e+00 : f32
      %broadcast_in_dim3A_91 = vector.broadcast %jit3A_90 : f32 to vector<56x128xf32>
      %select_n3A_92 = arith.select %gt3A_85, %select_n3A, %broadcast_in_dim3A_91 : vector<56x128xi1>, vector<56x128xf32>
      %add3A_93 = arith.addf %select_n3A_92, %add3A_73 : vector<56x128xf32>
      %add3A_94 = arith.addf %scan3A_37, %select_n3A_57 : vector<56x128xf32>
      %mul3A_95 = arith.mulf %select_n3A_57, %add3A_93 : vector<56x128xf32>
      %add3A_96 = arith.addf %scan3A_38, %mul3A_95 : vector<56x128xf32>
      %mul3A_97 = arith.mulf %select_n3A_57, %select_n3A_89 : vector<56x128xf32>
      %add3A_98 = arith.addf %scan3A_39, %mul3A_97 : vector<56x128xf32>
      %scan3A_99 = arith.constant 1 : i32
      %scan3A_100 = arith.addi %scan3A_36, %scan3A_99 : i32
      %mul3A_101 = arith.constant 128 : i32
      %mul3A_102 = arith.muli %scan3A_100, %mul3A_101 : i32
      %get3A_103 = arith.constant 0 : index
      %get3A_104 = arith.index_cast %mul3A_102 : i32 to index
      %get3A_105 = vector.load %arg1[%get3A_103, %get3A_104] : memref<56x25600xf32, #tpu.memory_space<vmem>>, vector<56x128xf32>
      %mul3A_106 = arith.constant 128 : i32
      %mul3A_107 = arith.muli %scan3A_100, %mul3A_106 : i32
      %get3A_108 = arith.constant 0 : index
      %get3A_109 = arith.index_cast %mul3A_107 : i32 to index
      %get3A_110 = vector.load %arg2[%get3A_108, %get3A_109] : memref<56x25600xf32, #tpu.memory_space<vmem>>, vector<56x128xf32>
      %mul3A_111 = arith.constant 128 : i32
      %mul3A_112 = arith.muli %scan3A_100, %mul3A_111 : i32
      %sub3A_113 = arith.subi %sub3A_3, %mul3A_112 : i32
      %lt3A_114 = vector.broadcast %sub3A_113 : i32 to vector<56x128xi32>
      %lt3A_115 = arith.cmpi slt, %iota3A, %lt3A_114 : vector<56x128xi32>
      %jit3A_116 = arith.constant 0.000000e+00 : f32
      %broadcast_in_dim3A_117 = vector.broadcast %jit3A_116 : f32 to vector<56x128xf32>
      %select_n3A_118 = arith.select %lt3A_115, %get3A_105, %broadcast_in_dim3A_117 : vector<56x128xi1>, vector<56x128xf32>
      %jit3A_119 = arith.constant 0.000000e+00 : f32
      %broadcast_in_dim3A_120 = vector.broadcast %jit3A_119 : f32 to vector<56x128xf32>
      %select_n3A_121 = arith.select %lt3A_115, %get3A_110, %broadcast_in_dim3A_120 : vector<56x128xi1>, vector<56x128xf32>
      %abs3A_122 = math.absf %select_n3A_118 : vector<56x128xf32>
      %neg3A_123 = arith.constant 0.000000e+00 : f32
      %neg3A_124 = vector.broadcast %neg3A_123 : f32 to vector<56x128xf32>
      %neg3A_125 = arith.subf %neg3A_124, %abs3A_122 : vector<56x128xf32>
      %exp3A_126 = math.exp %neg3A_125 : vector<56x128xf32>
      %mul3A_127 = arith.constant 0.105843775 : f32
      %mul3A_128 = vector.broadcast %mul3A_127 : f32 to vector<56x128xf32>
      %mul3A_129 = arith.mulf %mul3A_128, %exp3A_126 : vector<56x128xf32>
      %add3A_130 = arith.constant -0.394195616 : f32
      %add3A_131 = vector.broadcast %add3A_130 : f32 to vector<56x128xf32>
      %add3A_132 = arith.addf %mul3A_129, %add3A_131 : vector<56x128xf32>
      %mul3A_133 = arith.mulf %add3A_132, %exp3A_126 : vector<56x128xf32>
      %add3A_134 = arith.constant 9.812560e-01 : f32
      %add3A_135 = vector.broadcast %add3A_134 : f32 to vector<56x128xf32>
      %add3A_136 = arith.addf %mul3A_133, %add3A_135 : vector<56x128xf32>
      %mul3A_137 = arith.mulf %add3A_136, %exp3A_126 : vector<56x128xf32>
      %add3A_138 = arith.constant 5.72167221E-4 : f32
      %add3A_139 = vector.broadcast %add3A_138 : f32 to vector<56x128xf32>
      %add3A_140 = arith.addf %mul3A_137, %add3A_139 : vector<56x128xf32>
      %mul3A_141 = arith.constant 0.323232323 : f32
      %mul3A_142 = vector.broadcast %mul3A_141 : f32 to vector<56x128xf32>
      %mul3A_143 = arith.mulf %mul3A_142, %exp3A_126 : vector<56x128xf32>
      %add3A_144 = arith.constant -0.808080792 : f32
      %add3A_145 = vector.broadcast %add3A_144 : f32 to vector<56x128xf32>
      %add3A_146 = arith.addf %mul3A_143, %add3A_145 : vector<56x128xf32>
      %mul3A_147 = arith.mulf %add3A_146, %exp3A_126 : vector<56x128xf32>
      %add3A_148 = arith.constant 0.989898979 : f32
      %add3A_149 = vector.broadcast %add3A_148 : f32 to vector<56x128xf32>
      %add3A_150 = arith.addf %mul3A_147, %add3A_149 : vector<56x128xf32>
      %gt3A_151 = arith.constant 0.000000e+00 : f32
      %gt3A_152 = vector.broadcast %gt3A_151 : f32 to vector<56x128xf32>
      %gt3A_153 = arith.cmpf ogt, %select_n3A_118, %gt3A_152 : vector<56x128xf32>
      %sub3A_154 = arith.constant 1.000000e+00 : f32
      %sub3A_155 = vector.broadcast %sub3A_154 : f32 to vector<56x128xf32>
      %sub3A_156 = arith.subf %sub3A_155, %add3A_150 : vector<56x128xf32>
      %select_n3A_157 = arith.select %gt3A_153, %add3A_150, %sub3A_156 : vector<56x128xi1>, vector<56x128xf32>
      %jit3A_158 = arith.constant 0.000000e+00 : f32
      %broadcast_in_dim3A_159 = vector.broadcast %jit3A_158 : f32 to vector<56x128xf32>
      %select_n3A_160 = arith.select %gt3A_153, %select_n3A_118, %broadcast_in_dim3A_159 : vector<56x128xi1>, vector<56x128xf32>
      %add3A_161 = arith.addf %select_n3A_160, %add3A_140 : vector<56x128xf32>
      %add3A_162 = arith.addf %add3A_94, %select_n3A_121 : vector<56x128xf32>
      %mul3A_163 = arith.mulf %select_n3A_121, %add3A_161 : vector<56x128xf32>
      %add3A_164 = arith.addf %add3A_96, %mul3A_163 : vector<56x128xf32>
      %mul3A_165 = arith.mulf %select_n3A_121, %select_n3A_157 : vector<56x128xf32>
      %add3A_166 = arith.addf %add3A_98, %mul3A_165 : vector<56x128xf32>
      scf.yield %add3A_162, %add3A_164, %add3A_166 : vector<56x128xf32>, vector<56x128xf32>, vector<56x128xf32>
    }
    %scan3A_9 = arith.constant 200 : i32
    %get3A = arith.constant 0 : index
    %get3A_10 = memref.load %arg3[%get3A] : memref<3xf32, #tpu.memory_space<smem>>
    %reduce_sum3A = vector.shape_cast %scan3A_8#0 : vector<56x128xf32> to vector<1x56x128xf32>
    %reduce_sum3A_11 = arith.constant dense<0.000000e+00> : vector<1xf32>
    %reduce_sum3A_12 = vector.multi_reduction <add>, %reduce_sum3A, %reduce_sum3A_11 [1, 2] : vector<1x56x128xf32> to vector<1xf32>
    %reduce_sum3A_13 = vector.shape_cast %reduce_sum3A_12 : vector<1xf32> to vector<1x1x1xf32>
    %reduce_sum3A_14 = vector.extract %reduce_sum3A_13[0, 0, 0] : f32 from vector<1x1x1xf32>
    %add3A = arith.addf %get3A_10, %reduce_sum3A_14 : f32
    %swap3A = arith.constant 0 : index
    %swap3A_15 = memref.load %arg3[%swap3A] : memref<3xf32, #tpu.memory_space<smem>>
    memref.store %add3A, %arg3[%swap3A] : memref<3xf32, #tpu.memory_space<smem>>
    %get3A_16 = arith.constant 1 : index
    %get3A_17 = memref.load %arg3[%get3A_16] : memref<3xf32, #tpu.memory_space<smem>>
    %reduce_sum3A_18 = vector.shape_cast %scan3A_8#1 : vector<56x128xf32> to vector<1x56x128xf32>
    %reduce_sum3A_19 = arith.constant dense<0.000000e+00> : vector<1xf32>
    %reduce_sum3A_20 = vector.multi_reduction <add>, %reduce_sum3A_18, %reduce_sum3A_19 [1, 2] : vector<1x56x128xf32> to vector<1xf32>
    %reduce_sum3A_21 = vector.shape_cast %reduce_sum3A_20 : vector<1xf32> to vector<1x1x1xf32>
    %reduce_sum3A_22 = vector.extract %reduce_sum3A_21[0, 0, 0] : f32 from vector<1x1x1xf32>
    %add3A_23 = arith.addf %get3A_17, %reduce_sum3A_22 : f32
    %swap3A_24 = arith.constant 1 : index
    %swap3A_25 = memref.load %arg3[%swap3A_24] : memref<3xf32, #tpu.memory_space<smem>>
    memref.store %add3A_23, %arg3[%swap3A_24] : memref<3xf32, #tpu.memory_space<smem>>
    %get3A_26 = arith.constant 2 : index
    %get3A_27 = memref.load %arg3[%get3A_26] : memref<3xf32, #tpu.memory_space<smem>>
    %reduce_sum3A_28 = vector.shape_cast %scan3A_8#2 : vector<56x128xf32> to vector<1x56x128xf32>
    %reduce_sum3A_29 = arith.constant dense<0.000000e+00> : vector<1xf32>
    %reduce_sum3A_30 = vector.multi_reduction <add>, %reduce_sum3A_28, %reduce_sum3A_29 [1, 2] : vector<1x56x128xf32> to vector<1xf32>
    %reduce_sum3A_31 = vector.shape_cast %reduce_sum3A_30 : vector<1xf32> to vector<1x1x1xf32>
    %reduce_sum3A_32 = vector.extract %reduce_sum3A_31[0, 0, 0] : f32 from vector<1x1x1xf32>
    %add3A_33 = arith.addf %get3A_27, %reduce_sum3A_32 : f32
    %swap3A_34 = arith.constant 2 : index
    %swap3A_35 = memref.load %arg3[%swap3A_34] : memref<3xf32, #tpu.memory_space<smem>>
    memref.store %add3A_33, %arg3[%swap3A_34] : memref<3xf32, #tpu.memory_space<smem>>
    return
  }
  func.func @transform_0(%arg0: i32) -> (i32, i32) {
    %c0_i32 = arith.constant 0 : i32
    %c0_i32_0 = arith.constant 0 : i32
    return %c0_i32, %arg0 : i32, i32
  }
  func.func @transform_1(%arg0: i32) -> (i32, i32) {
    %c0_i32 = arith.constant 0 : i32
    %c0_i32_0 = arith.constant 0 : i32
    return %c0_i32, %arg0 : i32, i32
  }
  func.func @transform_2(%arg0: i32) -> i32 {
    %c0_i32 = arith.constant 0 : i32
    %c0_i32_0 = arith.constant 0 : i32
    return %c0_i32 : i32
  }
}

</mosaic_0001>

<sc_bundles>
// kernel: kernel.5.cloned.1.call-start
scs
__scs_entry_jumppad:
0x0: {  	(pc) =	sbr.rel $0x88, $3  }
0x1: {  	(tag) =	ssettag $0x0;
	lr =	simm.s32 $0x1  }
0x2: {  	[smem:$0x3F9F] =	sst lr;
	_ =	strace $0xD0000000  }
0x3: {  	_ = 	snop  }
0x4: {  	_ = 	snop  }
0x5: {  	_ = 	snop  }
0x6: {  	_ = 	snop  }
0x7: {  	_ = 	snop  }
__scs_overlays_trampoline_lowered:
0x8: {  	[smem:$0x3FAE] =	sst s0  }
0x9: {  	[smem:$0x3FAF] =	sst s1  }
0xa: {  	[smem:$0x3FB0] =	sst s2  }
0xb: {  	[smem:$0x3FB1] =	sst s3  }
0xc: {  	[smem:$0x3FB2] =	sst s4  }
0xd: {  	[smem:$0x3FB3] =	sst s5  }
0xe: {  	[smem:$0x3FB4] =	sst s6  }
0xf: {  	[smem:$0x3FB5] =	sst s7  }
0x10: {  	[smem:$0x3FB6] =	sst s8  }
0x11: {  	[smem:$0x3FB7] =	sst s9;
	s0 =	simm.s32 @!p0 $0x0  }
0x12: {  	s1 =	sld [smem:$0x3F9D];
	s0 =	simm.s32 @p0 $0x1  }
0x13: {  	[smem:$0x3FB8] =	sst s0;
	s0 =	simm.s32 @!p1 $0x0  }
0x14: {  	s2 =	sld [smem:$0x3F9C];
	s0 =	simm.s32 @p1 $0x1  }
0x15: {  	[smem:$0x3FB9] =	sst s0;
	s0 =	simm.s32 @!p2 $0x0  }
0x16: {  	s3 =	sld [smem:$0x3FDB];
	s0 =	simm.s32 @p2 $0x1  }
0x17: {  	s4 =	simm.s32 $0x1BF5;
	[smem:$0x3FBB] =	sst s0  }
0x18: {  	s0 =	sld [smem:$0x3F9E];
	_ =	swait.ge [sflag:s4], $0x0  }
0x19: {  	s7 =	sld [smem:$0x3F9F]  }
0x1a: {  	s8 =	sadd.s32 $0xFFFFE003, lr  }
0x1b: {  	s9 =	sadd.s32 $0xFFFFFEF7, lr;
	s5 =	simm.s32 $0xFFFFFFFF;
	p2 =	slt.u32 s8, $0xFFFFF086  }
0x1c: {  	p1 =	slt.u32 s9, $0xF7A;
	s5 =	simm.s32 @!p2 $0x0  }
0x1d: {  	s5 =	simm.s32 @p1 $0x1;
	p0 =	seq.s32 s7, s2  }
0x1e: {  	s7 =	smul.u32 @!p0 $0xF7A, s2;
	p2 =	seq.s32 @!p0 s5, $0x0  }
0x1f: {  	s9 =	smul.u32 $0xF7A, s1;
	s8 =	simm.s32 @!p0 $0x1BF5;
	p2 =	por !p2, p0  }
0x20: {  	[sflag:s8] =	ssyncset.s32 @!p0 $0xFFFFF086;
	s6 =	sadd.s32 @!p0 s3, s7;
	s7 =	simm.s32 @!p0 $0x108  }
0x21: {  	s3 =	sadd.s32 s3, s9;
	s6 =	sadd.s32 @!p0 $0x88, s6;
	s7 =	simm.s32 @p2 $0x1082  }
0x22: {  	[simem:s7], [sflag:s8] =	dma.local @!p0 [hbm:s6], $0xF7A  }
0x23: {  	s9 =	sor.u32 $0xD0000000, s2;
	s6 =	simm.s32 $0x108;
	_ =	swait.ge @!p0 [sflag:s8], $0x0  }
0x24: {  	s3 =	sadd.s32 $0x88, s3;
	s6 =	simm.s32 @!p1 $0x1082;
	[sflag:s4] =	ssyncset.s32 $0xFFFFF086  }
0x25: {  	[simem:s6], [sflag:s4] =	dma.local [hbm:s3], $0xF7A  }
0x26: {  	[smem:$0x3F9F] =	sst s1;
	(tag) =	ssettag s2;
	_ =	strace s9  }
0x27: {  	s1 =	sld [smem:$0x3FAF]  }
0x28: {  	s2 =	sld [smem:$0x3FB0]  }
0x29: {  	s4 =	sld [smem:$0x3FB2]  }
0x2a: {  	p0 =	seq.s32 s5, $0x0;
	s5 =	sld [smem:$0x3FB3]  }
0x2b: {  	s6 =	sld [smem:$0x3FB4]  }
0x2c: {  	s7 =	sld [smem:$0x3FB5]  }
0x2d: {  	s3 =	simm.s32 $0x108;
	s8 =	sld [smem:$0x3FB6]  }
0x2e: {  	s3 =	simm.s32 @!p0 $0x1082;
	s9 =	sld [smem:$0x3FB7]  }
0x2f: {  	lr =	sadd.s32 s0, s3;
	s0 =	sld [smem:$0x3FAE]  }
0x30: {  	s3 =	sld [smem:$0x3FB1]  }
0x31: {  	[smem:$0x3FBA] =	sst s10  }
0x32: {  	s10 =	sld [smem:$0x3FB8];
	_ =	sdelay $0x3  }
0x33: {  	p0 =	seq.s32 s10, $0x1;
	s10 =	sld [smem:$0x3FBA];
	_ =	sdelay $0x3  }
0x34: {  	[smem:$0x3FBA] =	sst s10  }
0x35: {  	s10 =	sld [smem:$0x3FB9];
	_ =	sdelay $0x3  }
0x36: {  	p1 =	seq.s32 s10, $0x1;
	s10 =	sld [smem:$0x3FBA];
	_ =	sdelay $0x3  }
0x37: {  	[smem:$0x3FBA] =	sst s10  }
0x38: {  	s10 =	sld [smem:$0x3FBB]  }
0x39: {  	_ = 	snop;
	(pc) =	sbr.ind lr, $3  }
0x3a: {  	_ = 	snop  }
0x3b: {  	_ = 	snop  }
0x3c: {  	p2 =	seq.s32 s10, $0x1;
	s10 =	sld [smem:$0x3FBA]  }
0x3d: {  	_ =	shalt  }
0x3e: {  	_ =	shalt  }
0x3f: {  	_ =	shalt  }
0x40: {  	_ =	shalt  }
0x41: {  	_ =	shalt  }
0x42: {  	_ =	shalt  }
0x43: {  	_ =	shalt  }
0x44: {  	_ =	shalt  }
0x45: {  	_ =	shalt  }
0x46: {  	_ =	shalt  }
0x47: {  	_ =	shalt  }
0x48: {  	_ =	shalt  }
0x49: {  	_ =	shalt  }
0x4a: {  	_ =	shalt  }
0x4b: {  	_ =	shalt  }
0x4c: {  	_ =	shalt  }
0x4d: {  	_ =	shalt  }
0x4e: {  	_ =	shalt  }
0x4f: {  	_ =	shalt  }
0x50: {  	_ =	shalt  }
0x51: {  	_ =	shalt  }
0x52: {  	_ =	shalt  }
0x53: {  	_ =	shalt  }
0x54: {  	_ =	shalt  }
0x55: {  	_ =	shalt  }
0x56: {  	_ =	shalt  }
0x57: {  	_ =	shalt  }
0x58: {  	_ =	shalt  }
0x59: {  	_ =	shalt  }
0x5a: {  	_ =	shalt  }
0x5b: {  	_ =	shalt  }
0x5c: {  	_ =	shalt  }
0x5d: {  	_ =	shalt  }
0x5e: {  	_ =	shalt  }
0x5f: {  	_ =	shalt  }
0x60: {  	_ =	shalt  }
0x61: {  	_ =	shalt  }
0x62: {  	_ =	shalt  }
0x63: {  	_ =	shalt  }
0x64: {  	_ =	shalt  }
0x65: {  	_ =	shalt  }
0x66: {  	_ =	shalt  }
0x67: {  	_ =	shalt  }
0x68: {  	_ =	shalt  }
0x69: {  	_ =	shalt  }
0x6a: {  	_ =	shalt  }
0x6b: {  	_ =	shalt  }
0x6c: {  	_ =	shalt  }
0x6d: {  	_ =	shalt  }
0x6e: {  	_ =	shalt  }
0x6f: {  	_ =	shalt  }
0x70: {  	_ =	shalt  }
0x71: {  	_ =	shalt  }
0x72: {  	_ =	shalt  }
0x73: {  	_ =	shalt  }
0x74: {  	_ =	shalt  }
0x75: {  	_ =	shalt  }
0x76: {  	_ =	shalt  }
0x77: {  	_ =	shalt  }
0x78: {  	_ =	shalt  }
0x79: {  	_ =	shalt  }
0x7a: {  	_ =	shalt  }
0x7b: {  	_ =	shalt  }
0x7c: {  	_ =	shalt  }
0x7d: {  	_ =	shalt  }
0x7e: {  	_ =	shalt  }
0x7f: {  	_ =	shalt  }
0x80: {  	_ =	shalt  }
0x81: {  	_ =	shalt  }
0x82: {  	_ =	shalt  }
0x83: {  	_ =	shalt  }
0x84: {  	_ =	shalt  }
0x85: {  	_ =	shalt  }
0x86: {  	_ =	shalt  }
0x87: {  	_ =	shalt  }
.Lfunc_end0:
.L_simem_size_0:
called_computation_lowered:
.L_overlay_start_0:
0x88: {  	s2 =	sld [smem:$0x3FD9]  }
0x89: {  	s3 =	sld [smem:$0x3FFE];
	_ =	sdelay $0x1  }
0x8a: {  	s1 =	srdreg.scid  }
0x8b: {  	s0 =	sand.u32 $0x1, s1  }
0x8c: {  	s17 =	sshll.u32 s0, $0xA;
	s2 =	sadd.s32 s3, s2  }
0x8d: {  	s2 =	sadd.s32 s2, s17  }
0x8e: {  	[smem:$0x3FC6] =	sst s2  }
0x8f: {  	_ = 	snop  }
0x90: {  	s2 =	sld [smem:$0x3FC9]  }
0x91: {  	s18 =	sld [smem:$0x3FC8];
	(tm) =	ssettm $0x1  }
0x92: {  	s4 =	sld [smem:$0x3FFB];
	_ =	sdelay $0x3  }
0x93: {  	_ =	strace s4  }
0x94: {  	s4 =	sld [smem:$0x3FFC];
	_ =	sdelay $0x3  }
0x95: {  	_ =	strace s4  }
0x96: {  	s4 =	sld [smem:$0x3FFD];
	_ =	sdelay $0x3  }
0x97: {  	_ =	strace s4  }
0x98: {  	_ =	strace $0x8FFFFFFF  }
0x99: {  	s19 =	sld [smem:$0x3FDB];
	_ =	sdelay $0x1  }
0x9a: {  	s5 =	simm.s32 $_scs_section_size  }
0x9b: {  	s6 =	simm.s32 $_size__tile_overlayer_lowered;
	s7 =	simm.s32 $_tile_overlayer_lowered  }
0x9c: {  	s22 =	simm.s32 $0x1BFF;
	s21 =	sshll.u32 s7, $0x1;
	s4 =	sadd.s32 s5, s19  }
0x9d: {  	s8 =	simm.s32 $0x0;
	s20 =	sshll.u32 s6, $0x1;
	s6 =	sadd.s32 s21, s4  }
0x9e: {  	[timem:s8], [sflag:s22] =	dma.local [hbm:s6], s20  }
0x9f: {  	_ =	swait.ge [sflag:s22], s20  }
0xa0: {  	s5 =	ssub.s32 $0x0, s20;
	[sflag:s22] =	ssyncset.done $0x0  }
0xa1: {  	[sflag:s22] =	ssyncadd.s32 s5;
	_ =	sdelay $0x1  }
0xa2: {  	s23 =	simm.s32 $0x1B8B  }
0xa3: {  	_ =	swait.ge [sflag:s23], $0x1  }
0xa4: {  	[sflag:s23] =	ssyncset.done $0x0  }
0xa5: {  	s25 =	simm.s32 $0x1B8E;
	s24 =	sld [smem:$0x3FFE];
	[sflag:s23] =	ssyncadd.s32 $0xFFFFFFFF  }
0xa6: {  	s26 =	simm.s32 $execute0_lowered;
	[smem:$0x3FD2] =	sst s25  }
0xa7: {  	s6 =	sshll.u32 s26, $0x1;
	_ =	strace $0x80000046;
	[dreg:$0x1] =	wrdreg $0xFFFFFFFF  }
0xa8: {  	s28 =	simm.s32 $_size_execute0_lowered;
	s4 =	sadd.s32 s4, s6;
	[dreg:$0x0] =	wrdreg $0x0  }
0xa9: {  	s6 =	sshll.u32 s28, $0x1;
	[dreg:$0x2] =	wrdreg s4  }
0xaa: {  	[dreg:$0x3] =	wrdreg s6  }
0xab: {  	[dreg:$0x4] =	wrdreg $0xC0  }
0xac: {  	_ =	task [dreg:s8], $0x5FFFF  }
0xad: {  	[dreg:$0x1] =	wrdreg $0xFFFFFFFF  }
0xae: {  	[dreg:$0x0] =	wrdreg $0x60  }
0xaf: {  	[dreg:$0x2] =	wrdreg s2  }
0xb0: {  	[dreg:$0x3] =	wrdreg s18  }
0xb1: {  	[dreg:$0x4] =	wrdreg s24  }
0xb2: {  	[dreg:$0x5] =	wrdreg $0x9  }
0xb3: {  	_ =	task.clear_ibuf [dreg:s8], $0x6FFFF;
	_ =	strace $0x90000046  }
0xb4: {  	s29 =	simm.s32 $0x9;
	_ =	strace $0x80000048  }
0xb5: {  	_ =	swait.ge [sflag:s29], $0x1  }
0xb6: {  	[sflag:s29] =	ssyncadd.s32 $0xFFFFFFFF  }
0xb7: {  	_ =	strace $0x90000048  }
0xb8: {  	_ =	sfence  }
0xb9: {  	s30 =	sld [smem:$0x0];
	_ =	sdelay $0x2  }
0xba: {  	s31 =	sshll.u32 s1, $0xD;
	s1 =	sshrl.u32 s1, $0x2  }
0xbb: {  	s3 =	sand.u32 $0x4000, s31;
	s1 =	sadd.s32 s1, s30  }
0xbc: {  	s0 =	sor.u32 s3, s0;
	s1 =	sshll.u32 s1, $0x11  }
0xbd: {  	s0 =	sor.u32 s1, s0  }
0xbe: {  	s0 =	sadd.s32 $0x8F2B, s0  }
0xbf: {  	[sflag:s0] =	ssyncadd.remote.s32 $0x1  }
0xc0: {  	_ =	sfence.sel $0xFFFF  }
0xc1: {  	[dreg:$0x0] =	wrdreg $0xFFFFFFFF;
	(pc) =	sbr.abs _section_cstart, $3  }
0xc2: {  	[dreg:$0x1] =	wrdreg $0xFFFFFFFF  }
0xc3: {  	_ =	task.clear_ibuf [dreg:s8], $0x2FFFF;
	_ =	strace $0x9FFFFFFF  }
0xc4: {  	(tm) =	ssettm $0x7FFFFFFF  }
0xc5: {  	_ =	shalt  }
tec
execute0_lowered:
.L_overlay_start_1:
0x0: {  	(tag) =	ssettag $0x1  }
0x1: {  	s1 =	rddreg [dreg:$0x0]  }
0x2: {  	s3 =	rddreg [dreg:$0x1]  }
0x3: {  	s9 =	rddreg [dreg:$0x2]  }
0x4: {  	s0 =	rddreg [dreg:$0x3];
	s5 =	srdreg.scid  }
0x5: {  	s2 =	stileid.u32;
	s4 =	simm.s32 $0x0;
	s12 =	simm.s32 $0x4000  }
0x6: {  	s13 =	simm.s32 $0x3;
	s5 =	sand.u32 $0x1, s5;
	s6 =	sshll.u32 s2, $0x1  }
0x7: {  	s14 =	simm.s32 $0x0;
	[smem:$0x7FF] =	sst s4;
	s10 =	sor.u32 s5, s6  }
0x8: {  	_ =	strace $0x80000047;
	s29 =	ssub.s32 $0x2, s5;
	s30 =	sshll.u32 s10, $0xC  }
0x9: {  	s7 =	sshrl.u32 s29, $0x1;
	s8 =	ssub.s32 $0x1A5, s10;
	s10 =	sshll.u32 s10, $0x4  }
0xa: {  	s5 =	sadd.s32 $0xAAF400, s30;
	s11 =	ssub.s32 s29, s7;
	s6 =	sshrl.u32 s8, $0x5  }
0xb: {  	s9 =	sadd.s32 s9, s10;
	s31 =	sshrl.u32 s5, $0x3;
	s10 =	smax.u32 s11, $0x1  }
0xc: {  	v0 =	vimm.f32 $0.0e+00;
	s11 =	simm.s32 $0x2000;
	s7 =	sadd.s32 s1, s31;
	s8 =	sadd.s32 s3, s31  }
.LBB2_1:
0xd: {  	[tilespmem:s4], [sflag:$0x1] =	stream.linear.gather [hbm4b:s7+s4], $0x1000, $0x38;
	[tilespmem:$0x4080] =	vst v63  }
0xe: {  	p0 =	por $0x0, $0x0;
	s15 =	simm.s32 $0x0  }
0xf: {  	v8 =	vimm.f32 $0.0e+00;
	v9 =	vimm.f32 $0.0e+00;
	v2 =	vimm.f32 $0.0e+00;
	[tilespmem:s11], [sflag:$0x1] =	stream.linear.gather [hbm4b:s8+s4], $0x1000, $0x38;
	[tilespmem:$0x4080] =	vst v63  }
.LBB2_3:
0x10: {  	s16 =	sand.u32 $0x1, s15;
	s15 =	sadd.s32 $0x1, s15  }
0x11: {  	p1 =	sge.u32 s15, s6  }
0x12: {  	s17 =	sshll.u32 @!p1 s15, $0x11  }
0x13: {  	s17 =	sadd.s32 @!p1 s17, s5  }
0x14: {  	s18 =	sxor.u32 @!p1 $0x1, s16;
	s21 =	simm.s32 @!p1 $0x0;
	s17 =	sshrl.u32 @!p1 s17, $0x3  }
0x15: {  	s19 =	sadd.s32 @!p1 $0x1, s18;
	s18 =	sshll.u32 @!p1 s18, $0xC;
	s20 =	sadd.s32 @!p1 s1, s17  }
0x16: {  	[tilespmem:s18], [sflag:s19] =	stream.linear.gather @!p1 [hbm4b:s20+s21], $0x1000, $0x38;
	[tilespmem:$0x4080] =	vst v63  }
0x17: {  	s30 =	sadd.s32 $0x1, s16;
	s17 =	sadd.s32 @!p1 s3, s17;
	s18 =	sor.u32 @!p1 $0x2000, s18  }
0x18: {  	[tilespmem:s18], [sflag:s19] =	stream.linear.gather @!p1 [hbm4b:s17+s21], $0x1000, $0x38;
	[tilespmem:$0x4080] =	vst v63  }
0x19: {  	_ =	swait.ge [sflag:s30], $0x1000  }
0x1a: {  	s16 =	simm.s32 $0x1;
	[sflag:s30] =	ssyncset.done $0x0  }
0x1b: {  	s16 =	simm.s32 @!p0 $0x0;
	[sflag:s30] =	ssyncadd.s32 $0xFFFFF000  }
0x1c: {  	s31 =	sshll.u32 s16, $0xC;
	_ =	swait.ge [sflag:s30], $0x1000  }
0x1d: {  	s16 =	sor.u32 $0x40, s31;
	[sflag:s30] =	ssyncset.done $0x0  }
0x1e: {  	s17 =	sor.u32 $0x2040, s31;
	s18 =	simm.s32 $0x0;
	[sflag:s30] =	ssyncadd.s32 $0xFFFFF000  }
.LBB2_4:
0x1f: {  	v7 =	vld [tilespmem:s16+$0xFFFFFFD0]  }
0x20: {  	v11 =	vld [tilespmem:s17+$0xFFFFFFC0]  }
0x21: {  	v13 =	vld [tilespmem:s16+$0xFFFFFFF0]  }
0x22: {  	v10 =	vld [tilespmem:s16+$0x20]  }
0x23: {  	v15 =	vld [tilespmem:s16+$0x10]  }
0x24: {  	v16 =	vld [tilespmem:s16+$0x0]  }
0x25: {  	v17 =	vld [tilespmem:s16+$0xFFFFFFC0]  }
0x26: {  	v14 =	vld [tilespmem:s16+$0xFFFFFFE0];
	v1 =	vand.u32 $0x7FFFFFFF, v7  }
0x27: {  	v1 =	vsub.f32 $0.0e+00, v1  }
0x28: {  	v4 =	vand.u32 $0x7FFFFFFF, v13;
	v5 =	vand.u32 $0x7FFFFFFF, v10;
	v2 =	vadd.f32 v11, v2  }
0x29: {  	v6 =	vand.u32 $0x7FFFFFFF, v16;
	v20 =	vand.u32 $0x7FFFFFFF, v15;
	v3 =	vmul.f32 $1.442695020e+00, v1  }
0x2a: {  	v18 =	vld [tilespmem:s17+$0xFFFFFFD0];
	v12 =	vand.u32 $0x7FFFFFFF, v17;
	vm1 =	vgt.f32 v10, $0.0e+00;
	vm6 =	vgt.f32 v7, $0.0e+00  }
0x2b: {  	vm7 =	vgt.f32 v14, $0.0e+00;
	vm3 =	vgt.f32 v13, $0.0e+00;
	v1 =	vld [tilespmem:s16+$0x30];
	(erf) = vpow2.f32 v3  }
0x2c: {  	vm4 =	vgt.f32 v17, $0.0e+00;
	v3 =	vsub.f32 $0.0e+00, v4;
	v4 =	vand.u32 $0x7FFFFFFF, v14  }
0x2d: {  	v19 =	vld [tilespmem:s17+$0xFFFFFFE0];
	vm2 =	vgt.f32 v15, $0.0e+00;
	v6 =	vsub.f32 $0.0e+00, v6;
	v4 =	vsub.f32 $0.0e+00, v4  }
0x2e: {  	vm5 =	vgt.f32 v16, $0.0e+00;
	v12 =	vsub.f32 $0.0e+00, v12;
	v23 =	vsub.f32 $0.0e+00, v5  }
0x2f: {  	v20 =	vsub.f32 $0.0e+00, v20;
	v13 =	vnsel vm3, $0x0, v13;
	v22 =	vmul.f32 $1.442695020e+00, v4;
	v4 =	vld [tilespmem:s17+$0xFFFFFFF0]  }
0x30: {  	v2 =	vadd.f32 v18, v2;
	v6 =	vmul.f32 $1.442695020e+00, v6;
	v21 =	vand.u32 $0x7FFFFFFF, v1  }
0x31: {  	v24 =	vmul.f32 $1.442695020e+00, v12;
	v12 =	vld [tilespmem:s17+$0x0];
	v21 =	vsub.f32 $0.0e+00, v21;
	(erf) = vpow2.f32 v22  }
0x32: {  	v26 =	vnsel vm6, $0x0, v7;
	v2 =	vadd.f32 v19, v2;
	(erf) = vpow2.f32 v6  }
0x33: {  	v5 =	vld [tilespmem:s17+$0x10];
	v17 =	vnsel vm4, $0x0, v17;
	v6 =	vmul.f32 $1.442695020e+00, v21;
	(erf) = vpow2.f32 v24  }
0x34: {  	v15 =	vnsel vm2, $0x0, v15;
	v3 =	vmul.f32 $1.442695020e+00, v3;
	v2 =	vadd.f32 v4, v2;
	v60 =	vpop (erf)  }
0x35: {  	v16 =	vnsel vm5, $0x0, v16;
	(erf) = vpow2.f32 v6;
	v6 =	vld [tilespmem:s17+$0x20];
	v61 =	vmul.f32 $3.232323230e-01, v60  }
0x36: {  	v20 =	vmul.f32 $1.442695020e+00, v20;
	v62 =	vmul.f32 $1.058437750e-01, v60;
	v2 =	vadd.f32 v12, v2  }
0x37: {  	v23 =	vmul.f32 $1.442695020e+00, v23;
	(erf) = vpow2.f32 v3;
	v3 =	vld [tilespmem:s17+$0x30];
	v22 =	vadd.f32 $-8.080807920e-01, v61  }
0x38: {  	(erf) = vpow2.f32 v20;
	v20 =	vadd.f32 $-3.941956160e-01, v62;
	v2 =	vadd.f32 v5, v2  }
0x39: {  	v14 =	vnsel vm7, $0x0, v14;
	vm0 =	vgt.f32 v1, $0.0e+00;
	(erf) = vpow2.f32 v23  }
0x3a: {  	v20 =	vmul.f32 v20, v60;
	v63 =	vpop (erf);
	v2 =	vadd.f32 v6, v2;
	v21 =	vmul.f32 v22, v60  }
0x3b: {  	v62 =	vnsel vm1, $0x0, v10;
	v41 =	vmul.f32 $3.232323230e-01, v63;
	v25 =	vpop (erf);
	v7 =	vmul.f32 $1.058437750e-01, v63  }
0x3c: {  	v20 =	vadd.f32 $9.812560080e-01, v20;
	v27 =	vpop (erf);
	v2 =	vadd.f32 v3, v2;
	v42 =	vmul.f32 $1.058437750e-01, v25  }
0x3d: {  	v35 =	vmul.f32 $3.232323230e-01, v25;
	v21 =	vadd.f32 $9.898989790e-01, v21;
	v28 =	vmul.f32 $1.058437750e-01, v27  }
0x3e: {  	v29 =	vmul.f32 $3.232323230e-01, v27;
	v24 =	vadd.f32 $-8.080807920e-01, v41;
	v30 =	vadd.f32 $-3.941956160e-01, v7  }
0x3f: {  	v20 =	vmul.f32 v20, v60;
	v22 =	vadd.f32 $-3.941956160e-01, v42;
	v40 =	vsub.f32 $1.000000000e+00, v21  }
0x40: {  	v35 =	vadd.f32 $-8.080807920e-01, v35;
	v7 =	vpop (erf);
	v28 =	vadd.f32 $-3.941956160e-01, v28;
	v24 =	vmul.f32 v24, v63  }
0x41: {  	v30 =	vmul.f32 v30, v63;
	v29 =	vadd.f32 $-8.080807920e-01, v29;
	v34 =	vmul.f32 $1.058437750e-01, v7  }
0x42: {  	v31 =	vpop (erf);
	v20 =	vadd.f32 $5.721672210e-04, v20;
	v22 =	vmul.f32 v22, v25;
	v48 =	vmul.f32 v35, v25  }
0x43: {  	v21 =	vsel vm6, v21, v40;
	v57 =	vmul.f32 $3.232323230e-01, v7;
	v32 =	vmul.f32 $1.058437750e-01, v31  }
0x44: {  	v24 =	vadd.f32 $9.898989790e-01, v24;
	v30 =	vadd.f32 $9.812560080e-01, v30;
	v29 =	vmul.f32 v29, v27  }
0x45: {  	v33 =	vpop (erf);
	v28 =	vmul.f32 v28, v27;
	v53 =	vmul.f32 $3.232323230e-01, v31;
	v20 =	vadd.f32 v20, v26  }
0x46: {  	v43 =	vmul.f32 $1.058437750e-01, v33;
	v36 =	vmul.f32 $3.232323230e-01, v33;
	v37 =	vpop (erf);
	v22 =	vadd.f32 $9.812560080e-01, v22  }
0x47: {  	v38 =	vsub.f32 $1.000000000e+00, v24;
	v39 =	vmul.f32 $1.058437750e-01, v37;
	v29 =	vadd.f32 $9.898989790e-01, v29  }
0x48: {  	v23 =	vmul.f32 v30, v63;
	v32 =	vadd.f32 $-3.941956160e-01, v32;
	v46 =	vadd.f32 $9.812560080e-01, v28  }
0x49: {  	v56 =	vmul.f32 $3.232323230e-01, v37;
	v58 =	vadd.f32 $-8.080807920e-01, v53;
	v26 =	vadd.f32 $-3.941956160e-01, v43  }
0x4a: {  	v20 =	vmul.f32 v20, v18;
	v18 =	vmul.f32 v21, v18;
	v49 =	vadd.f32 $-8.080807920e-01, v36  }
0x4b: {  	v21 =	vadd.f32 $9.898989790e-01, v48;
	v22 =	vmul.f32 v22, v25;
	v24 =	vsel vm7, v24, v38  }
0x4c: {  	v44 =	vadd.f32 $-3.941956160e-01, v39;
	v23 =	vadd.f32 $5.721672210e-04, v23;
	v47 =	vmul.f32 v32, v31  }
0x4d: {  	v45 =	vsub.f32 $1.000000000e+00, v29;
	v26 =	vmul.f32 v26, v33;
	v24 =	vmul.f32 v24, v19  }
0x4e: {  	v22 =	vadd.f32 $5.721672210e-04, v22;
	v14 =	vadd.f32 v23, v14;
	v23 =	vmul.f32 v46, v27  }
0x4f: {  	v55 =	vmul.f32 v49, v33;
	v50 =	vadd.f32 $9.812560080e-01, v47;
	v26 =	vadd.f32 $9.812560080e-01, v26  }
0x50: {  	v30 =	vmul.f32 v44, v37;
	v19 =	vmul.f32 v14, v19;
	v23 =	vadd.f32 $5.721672210e-04, v23  }
0x51: {  	v61 =	vsub.f32 $1.000000000e+00, v21;
	v51 =	vmul.f32 v50, v31;
	v14 =	vmul.f32 v26, v33  }
0x52: {  	v29 =	vsel vm4, v29, v45;
	v16 =	vadd.f32 v22, v16;
	v17 =	vadd.f32 v23, v17  }
0x53: {  	v10 =	vsel vm5, v21, v61;
	v26 =	vadd.f32 $5.721672210e-04, v51;
	v14 =	vadd.f32 $5.721672210e-04, v14  }
0x54: {  	v52 =	vadd.f32 $9.812560080e-01, v30;
	v10 =	vmul.f32 v10, v12;
	v17 =	vmul.f32 v17, v11  }
0x55: {  	v26 =	vadd.f32 v26, v13;
	v11 =	vmul.f32 v29, v11;
	v14 =	vadd.f32 v14, v15  }
0x56: {  	v54 =	vmul.f32 v52, v37;
	v9 =	vadd.f32 v17, v9;
	v17 =	vadd.f32 $-8.080807920e-01, v57  }
0x57: {  	v59 =	vadd.f32 v11, v8;
	v8 =	vmul.f32 v58, v31;
	v11 =	vmul.f32 v14, v5  }
0x58: {  	v14 =	vmul.f32 v16, v12;
	v16 =	vadd.f32 $-8.080807920e-01, v56;
	v9 =	vadd.f32 v20, v9  }
0x59: {  	v15 =	vmul.f32 v26, v4;
	v20 =	vadd.f32 $-3.941956160e-01, v34;
	v60 =	vadd.f32 $9.898989790e-01, v8  }
0x5a: {  	v8 =	vmul.f32 v17, v7;
	v17 =	vadd.f32 v18, v59;
	v19 =	vadd.f32 v19, v9  }
0x5b: {  	v9 =	vmul.f32 v20, v7;
	v20 =	vadd.f32 $5.721672210e-04, v54;
	v63 =	vsub.f32 $1.000000000e+00, v60  }
0x5c: {  	v13 =	vadd.f32 $9.898989790e-01, v55;
	v18 =	vmul.f32 v16, v37;
	v17 =	vadd.f32 v24, v17  }
0x5d: {  	s19 =	simm.s32 $0x0;
	s20 =	sadd.s32 $0x400, s16;
	s21 =	smov.u32 s17;
	v15 =	vadd.f32 v15, v19;
	v19 =	vsel vm3, v60, v63;
	v12 =	vadd.f32 v20, v62  }
.LBB2_5:
0x5e: {  	v16 =	vld [tilespmem:s20+$0xFFFFFFD0];
	s19 =	sadd.s32 $0x8, s19;
	v4 =	vmul.f32 v19, v4;
	v19 =	vsub.f32 $1.000000000e+00, v13;
	v20 =	vadd.f32 $9.812560080e-01, v9;
	s21 =	sadd.s32 $0x400, s21  }
0x5f: {  	v14 =	vadd.f32 v14, v15;
	v15 =	vadd.f32 $9.898989790e-01, v18;
	v9 =	vld [tilespmem:s21+$0xFFFFFFC0];
	p1 =	slt.u32 s19, $0x18;
	v12 =	vmul.f32 v12, v6  }
0x60: {  	v18 =	vld [tilespmem:s20+$0xFFFFFFF0];
	v4 =	vadd.f32 v4, v17;
	v13 =	vsel vm2, v13, v19;
	v7 =	vmul.f32 v20, v7  }
0x61: {  	v20 =	vadd.f32 $9.898989790e-01, v8;
	v19 =	vld [tilespmem:s20+$0xFFFFFFE0];
	v5 =	vmul.f32 v13, v5;
	v13 =	vsub.f32 $1.000000000e+00, v15  }
0x62: {  	v11 =	vadd.f32 v11, v14;
	v14 =	vnsel vm0, $0x0, v1;
	v8 =	vld [tilespmem:s20+$0x20];
	v7 =	vadd.f32 $5.721672210e-04, v7  }
0x63: {  	v4 =	vadd.f32 v10, v4;
	v17 =	vand.u32 $0x7FFFFFFF, v16;
	v1 =	vld [tilespmem:s20+$0x30];
	v10 =	vsel vm1, v15, v13  }
0x64: {  	v13 =	vsub.f32 $0.0e+00, v17;
	v17 =	vld [tilespmem:s20+$0x10];
	v6 =	vmul.f32 v10, v6;
	v10 =	vsub.f32 $1.000000000e+00, v20  }
0x65: {  	v4 =	vadd.f32 v5, v4;
	v5 =	vadd.f32 v7, v14;
	v21 =	vand.u32 $0x7FFFFFFF, v18;
	v15 =	vld [tilespmem:s20+$0x0]  }
0x66: {  	v22 =	vld [tilespmem:s20+$0xFFFFFFC0];
	v7 =	vmul.f32 $1.442695020e+00, v13;
	v21 =	vsub.f32 $0.0e+00, v21;
	v10 =	vsel vm0, v20, v10  }
0x67: {  	v6 =	vadd.f32 v6, v4;
	v20 =	vand.u32 $0x7FFFFFFF, v8;
	v23 =	vmul.f32 v10, v3  }
0x68: {  	v2 =	vadd.f32 v9, v2;
	v4 =	vadd.f32 v12, v11;
	v13 =	vld [tilespmem:s21+$0xFFFFFFD0];
	(erf) = vpow2.f32 v7  }
0x69: {  	v3 =	vmul.f32 v5, v3;
	v7 =	vand.u32 $0x7FFFFFFF, v19;
	v12 =	vand.u32 $0x7FFFFFFF, v17  }
0x6a: {  	v10 =	vand.u32 $0x7FFFFFFF, v1;
	v5 =	vsub.f32 $0.0e+00, v7;
	v14 =	vld [tilespmem:s21+$0xFFFFFFE0];
	v7 =	vand.u32 $0x7FFFFFFF, v15  }
0x6b: {  	v11 =	vadd.f32 v3, v4;
	v24 =	vand.u32 $0x7FFFFFFF, v22;
	v7 =	vsub.f32 $0.0e+00, v7  }
0x6c: {  	v5 =	vmul.f32 $1.442695020e+00, v5;
	v3 =	vsub.f32 $0.0e+00, v24;
	v4 =	vld [tilespmem:s21+$0xFFFFFFF0];
	v24 =	vsub.f32 $0.0e+00, v10  }
0x6d: {  	v20 =	vsub.f32 $0.0e+00, v20;
	v2 =	vadd.f32 v13, v2;
	v7 =	vmul.f32 $1.442695020e+00, v7  }
0x6e: {  	v25 =	vsub.f32 $0.0e+00, v12;
	v3 =	vmul.f32 $1.442695020e+00, v3;
	v10 =	vld [tilespmem:s21+$0x0];
	(erf) = vpow2.f32 v5  }
0x6f: {  	v12 =	vadd.f32 v23, v6;
	v2 =	vadd.f32 v14, v2;
	(erf) = vpow2.f32 v7  }
0x70: {  	vm0 =	vgt.f32 v1, $0.0e+00;
	v6 =	vmul.f32 $1.442695020e+00, v24;
	v5 =	vld [tilespmem:s21+$0x10];
	(erf) = vpow2.f32 v3  }
0x71: {  	v7 =	vmul.f32 $1.442695020e+00, v25;
	v3 =	vmul.f32 $1.442695020e+00, v21;
	v2 =	vadd.f32 v4, v2;
	v21 =	vpop (erf)  }
0x72: {  	vm1 =	vgt.f32 v8, $0.0e+00;
	v23 =	vmul.f32 $3.232323230e-01, v21;
	(erf) = vpow2.f32 v6  }
0x73: {  	v24 =	vmul.f32 $1.058437750e-01, v21;
	v2 =	vadd.f32 v10, v2;
	v6 =	vld [tilespmem:s21+$0x20];
	(erf) = vpow2.f32 v3  }
0x74: {  	v25 =	vmul.f32 $1.442695020e+00, v20;
	v23 =	vadd.f32 $-8.080807920e-01, v23;
	(erf) = vpow2.f32 v7  }
0x75: {  	vm6 =	vgt.f32 v16, $0.0e+00;
	v7 =	vadd.f32 $-3.941956160e-01, v24;
	v2 =	vadd.f32 v5, v2  }
0x76: {  	vm3 =	vgt.f32 v18, $0.0e+00;
	vm7 =	vgt.f32 v19, $0.0e+00;
	v3 =	vld [tilespmem:s21+$0x30];
	(erf) = vpow2.f32 v25  }
0x77: {  	v18 =	vnsel vm3, $0x0, v18;
	v19 =	vnsel vm7, $0x0, v19;
	v7 =	vmul.f32 v7, v21;
	v20 =	vpop (erf)  }
0x78: {  	vm4 =	vgt.f32 v22, $0.0e+00;
	v24 =	vmul.f32 $3.232323230e-01, v20;
	v2 =	vadd.f32 v6, v2;
	v25 =	vpop (erf)  }
0x79: {  	v16 =	vnsel vm6, $0x0, v16;
	v32 =	vadd.f32 $9.812560080e-01, v7;
	v26 =	vmul.f32 $1.058437750e-01, v20;
	v27 =	vpop (erf)  }
0x7a: {  	v28 =	vmul.f32 $1.058437750e-01, v27;
	v29 =	vmul.f32 $3.232323230e-01, v27;
	v24 =	vadd.f32 $-8.080807920e-01, v24  }
0x7b: {  	v30 =	vmul.f32 v32, v21;
	v26 =	vadd.f32 $-3.941956160e-01, v26;
	v2 =	vadd.f32 v3, v2;
	v7 =	vpop (erf)  }
0x7c: {  	v22 =	vnsel vm4, $0x0, v22;
	v28 =	vadd.f32 $-3.941956160e-01, v28;
	v24 =	vmul.f32 v24, v20;
	v31 =	vpop (erf)  }
0x7d: {  	v30 =	vadd.f32 $5.721672210e-04, v30;
	v26 =	vmul.f32 v26, v20;
	v32 =	vmul.f32 $1.058437750e-01, v31;
	v33 =	vpop (erf)  }
0x7e: {  	vm2 =	vgt.f32 v17, $0.0e+00;
	v21 =	vmul.f32 v23, v21;
	v23 =	vmul.f32 $1.058437750e-01, v25  }
0x7f: {  	v34 =	vmul.f32 $1.058437750e-01, v7;
	v16 =	vadd.f32 v30, v16;
	v30 =	vmul.f32 $1.058437750e-01, v33;
	v35 =	vpop (erf)  }
0x80: {  	v17 =	vnsel vm2, $0x0, v17;
	v23 =	vadd.f32 $-3.941956160e-01, v23;
	v24 =	vadd.f32 $9.898989790e-01, v24  }
0x81: {  	v36 =	vmul.f32 $3.232323230e-01, v25;
	v29 =	vadd.f32 $-8.080807920e-01, v29;
	v30 =	vadd.f32 $-3.941956160e-01, v30  }
0x82: {  	v21 =	vadd.f32 $9.898989790e-01, v21;
	v26 =	vadd.f32 $9.812560080e-01, v26;
	v37 =	vmul.f32 $3.232323230e-01, v33  }
0x83: {  	v29 =	vmul.f32 v29, v27;
	v23 =	vmul.f32 v23, v25;
	v38 =	vsub.f32 $1.000000000e+00, v24  }
0x84: {  	vm5 =	vgt.f32 v15, $0.0e+00;
	v16 =	vmul.f32 v16, v13;
	v39 =	vmul.f32 $1.058437750e-01, v35  }
0x85: {  	v28 =	vmul.f32 v28, v27;
	v40 =	vsub.f32 $1.000000000e+00, v21;
	v20 =	vmul.f32 v26, v20  }
0x86: {  	v15 =	vnsel vm5, $0x0, v15;
	v24 =	vsel vm7, v24, v38;
	v26 =	vadd.f32 $-3.941956160e-01, v39  }
0x87: {  	v29 =	vadd.f32 $9.898989790e-01, v29;
	v20 =	vadd.f32 $5.721672210e-04, v20;
	v30 =	vmul.f32 v30, v33  }
0x88: {  	v36 =	vadd.f32 $-8.080807920e-01, v36;
	v32 =	vadd.f32 $-3.941956160e-01, v32;
	v26 =	vmul.f32 v26, v35  }
0x89: {  	v21 =	vsel vm6, v21, v40;
	v38 =	vsub.f32 $1.000000000e+00, v29;
	v19 =	vadd.f32 v20, v19  }
0x8a: {  	v20 =	vadd.f32 $9.812560080e-01, v28;
	v28 =	vmul.f32 v32, v31;
	v30 =	vadd.f32 $9.812560080e-01, v30  }
0x8b: {  	v21 =	vmul.f32 v21, v13;
	v13 =	vmul.f32 v36, v25;
	v32 =	vadd.f32 $-8.080807920e-01, v37  }
0x8c: {  	v24 =	vmul.f32 v24, v14;
	v20 =	vmul.f32 v20, v27;
	v27 =	vadd.f32 $9.812560080e-01, v28  }
0x8d: {  	v19 =	vmul.f32 v19, v14;
	v28 =	vadd.f32 $9.898989790e-01, v13;
	v13 =	vmul.f32 v30, v33  }
0x8e: {  	v23 =	vadd.f32 $9.812560080e-01, v23;
	v26 =	vadd.f32 $9.812560080e-01, v26;
	v14 =	vmul.f32 v27, v31  }
0x8f: {  	v20 =	vadd.f32 $5.721672210e-04, v20;
	v27 =	vmul.f32 $3.232323230e-01, v31;
	v30 =	vadd.f32 $5.721672210e-04, v13  }
0x90: {  	v13 =	vadd.f32 $5.721672210e-04, v14;
	v14 =	vmul.f32 v23, v25;
	v23 =	vmul.f32 v26, v35  }
0x91: {  	v20 =	vadd.f32 v20, v22;
	v22 =	vmul.f32 v32, v33;
	v25 =	vmul.f32 $3.232323230e-01, v35  }
0x92: {  	v26 =	vsel vm4, v29, v38;
	v29 =	vmul.f32 $3.232323230e-01, v7;
	v14 =	vadd.f32 $5.721672210e-04, v14  }
0x93: {  	v20 =	vmul.f32 v20, v9;
	v18 =	vadd.f32 v13, v18;
	v13 =	vadd.f32 $9.898989790e-01, v22  }
0x94: {  	v17 =	vadd.f32 v30, v17;
	v9 =	vmul.f32 v26, v9;
	v22 =	vadd.f32 $-8.080807920e-01, v27  }
0x95: {  	v11 =	vadd.f32 v20, v11;
	v18 =	vmul.f32 v18, v4;
	v20 =	vadd.f32 $-8.080807920e-01, v29  }
0x96: {  	v12 =	vadd.f32 v9, v12;
	v9 =	vmul.f32 v22, v31;
	v14 =	vadd.f32 v14, v15  }
0x97: {  	v15 =	vadd.f32 v16, v11;
	v11 =	vmul.f32 v17, v5;
	v16 =	vadd.f32 $-3.941956160e-01, v34  }
0x98: {  	v22 =	vadd.f32 $9.898989790e-01, v9;
	v14 =	vmul.f32 v14, v10;
	v17 =	vadd.f32 $-8.080807920e-01, v25  }
.Ltmp0:
0x99: {  	v15 =	vadd.f32 v19, v15;
	v19 =	vsub.f32 $1.000000000e+00, v28;
	v9 =	vmul.f32 v16, v7;
	(pc) =	sbr.rel @p1 .LBB2_5-.Ltmp0, $4  }
0x9a: {  	v16 =	vadd.f32 $5.721672210e-04, v23;
	v23 =	vnsel vm1, $0x0, v8;
	v8 =	vmul.f32 v20, v7  }
0x9b: {  	v12 =	vadd.f32 v21, v12;
	v20 =	vsub.f32 $1.000000000e+00, v22;
	v19 =	vsel vm5, v28, v19  }
0x9c: {  	v15 =	vadd.f32 v18, v15;
	v18 =	vmul.f32 v17, v35;
	v10 =	vmul.f32 v19, v10  }
0x9d: {  	s20 =	sadd.s32 $0x400, s20;
	v17 =	vadd.f32 v24, v12;
	v12 =	vadd.f32 v16, v23;
	v19 =	vsel vm3, v22, v20  }
0x9e: {  	v4 =	vmul.f32 v19, v4;
	v16 =	vsub.f32 $1.000000000e+00, v13;
	v9 =	vadd.f32 $9.812560080e-01, v9  }
0x9f: {  	v18 =	vadd.f32 $9.898989790e-01, v18;
	v14 =	vadd.f32 v14, v15  }
0xa0: {  	v8 =	vadd.f32 $9.898989790e-01, v8;
	v4 =	vadd.f32 v4, v17  }
0xa1: {  	v13 =	vsel vm2, v13, v16;
	v7 =	vmul.f32 v9, v7;
	v9 =	vsub.f32 $1.000000000e+00, v18  }
0xa2: {  	v1 =	vnsel vm0, $0x0, v1;
	v5 =	vmul.f32 v13, v5;
	v4 =	vadd.f32 v10, v4  }
0xa3: {  	s18 =	sadd.s32 $0x1, s18;
	v7 =	vadd.f32 $5.721672210e-04, v7;
	v9 =	vsel vm1, v18, v9;
	v10 =	vsub.f32 $1.000000000e+00, v8  }
0xa4: {  	v63 =	vmul.f32 v12, v6;
	p1 =	seq.s32 s18, $0x8;
	v9 =	vmul.f32 v9, v6;
	v6 =	vadd.f32 v11, v14  }
.Ltmp1:
0xa5: {  	v4 =	vadd.f32 v5, v4;
	v1 =	vadd.f32 v7, v1;
	v7 =	vsel vm0, v8, v10;
	(pc) =	sbr.rel @!p1 .LBB2_4-.Ltmp1, $3  }
0xa6: {  	v7 =	vmul.f32 v7, v3  }
0xa7: {  	v5 =	vadd.f32 v63, v6;
	v4 =	vadd.f32 v9, v4;
	v1 =	vmul.f32 v1, v3;
	_ =	sdelay $0x1  }
0xa8: {  	s16 =	sadd.s32 $0x80, s16;
	s17 =	sadd.s32 $0x80, s17;
	v9 =	vadd.f32 v1, v5;
	v8 =	vadd.f32 v7, v4  }
0xa9: {  	p1 =	seq.s32 s15, s6  }
.Ltmp2:
0xaa: {  	_ = 	snop;
	(pc) =	sbr.rel @!p1 .LBB2_3-.Ltmp2, $2  }
0xab: {  	_ =	sdelay $0x2  }
0xac: {  	p0 =	por !p0, !p0  }
0xad: {  	[tilespmem:$0x4030] =	vst v0  }
0xae: {  	[tilespmem:$0x4040] =	vst v0  }
0xaf: {  	[tilespmem:$0x4050] =	vst v0  }
0xb0: {  	[tilespmem:$0x4060] =	vst v0  }
0xb1: {  	[tilespmem:$0x4070] =	vst v0  }
0xb2: {  	[tilespmem:$0x4000] =	vst v2;
	s14 =	sadd.s32 $0x1, s14  }
0xb3: {  	[tilespmem:$0x4010] =	vst v9;
	p0 =	sne.s32 s14, s10  }
.Ltmp3:
0xb4: {  	[tilespmem:$0x4020] =	vst v8;
	(pc) =	sbr.rel @p0 .LBB2_1-.Ltmp3, $4  }
0xb5: {  	[hbm4b:s9+s4] =	stream.linear.scatter [tilespmem:s12], [sflag:$0x3], $0x80, $0x38;
	[tilespmem:$0x4080] =	vst v63  }
0xb6: {  	_ =	swait.ge [sflag:s13], $0x80  }
0xb7: {  	[sflag:s13] =	ssyncset.done $0x0  }
0xb8: {  	[sflag:s13] =	ssyncadd.s32 $0xFFFFFF80  }
0xb9: {  	_ =	sfence.sel $0x180000  }
0xba: {  	[bflag:$0x0] =	sbarrier.arrive $0xFFFF  }
0xbb: {  	p0 =	sne.s32 s2, $0x0;
	_ =	strace $0x90000047  }
0xbc: {  	s0 =	sadd.s32 @!p0 $0x100000, s0;
	[bflag:$0x2] =	sbarrier.arrive $0xFFFF  }
0xbd: {  	[sflag:s0] =	ssyncadd.tile.s32 @!p0 $0x1;
	_ =	shalt  }
.Lfunc_end2:
_tile_overlayer_lowered:
.L_overlay_start_2:
0xbe: {  	(tag) =	ssettag $0x2  }
0xbf: {  	s0 =	rddreg [dreg:$0x0];
	s2 =	stileid.u32  }
0xc0: {  	s1 =	rddreg [dreg:$0x1];
	p0 =	sne.s32 s2, $0x0  }
0xc1: {  	s3 =	rddreg [dreg:$0x2];
	[bflag:$0x3] =	sbarrier.arrive $0xFFFF;
	s2 =	simm.s32 @!p0 $0x1C03  }
0xc2: {  	[timem:s3], [sflag:s2] =	dma.local @!p0 [hbm:s0], s1  }
0xc3: {  	s0 =	simm.s32 @!p0 $0x3  }
0xc4: {  	_ =	swait.ge @!p0 [sflag:s0], s1  }
0xc5: {  	s1 =	ssub.s32 @!p0 $0x0, s1;
	[sflag:s0] =	ssyncset.done @!p0 $0x0  }
0xc6: {  	[sflag:s0] =	ssyncadd.s32 @!p0 s1  }
0xc7: {  	[bflag:$0x3] =	sbarrier.arrive $0xFFFF  }
0xc8: {  	_ =	shalt  }

</sc_bundles>
